<compile_context>
chip_gen: v7x
topology: tpu7x:2x2x1
jax: 0.10.2.dev20260603
libtpu: 0.0.44.dev20260713+nightly
codegen_flags: <defaults>
</compile_context>

<pallas_src>
import functools

import jax
import jax.numpy as jnp
from jax import lax
from jax.experimental import pallas as pl
from jax.experimental.pallas import tpu as pltpu
from jax.experimental.pallas import tpu_sc as plsc

_NC = 2
_NS = 16
_NW = _NC * _NS
_L = 16
_CHUNK = 2560
_UNROLL = 16
_NBUF = 4


def _masked_edge_sums(x_flat, edge_index, home_vec, away_vec):
    n_nodes = x_flat.shape[0]
    n_edges = edge_index.shape[1]
    n_chunks = n_edges // _CHUNK
    k_per_w = -(-n_chunks // _NW)
    k_per_w = -(-k_per_w // _NBUF) * _NBUF

    mesh = plsc.VectorSubcoreMesh(core_axis_name="c", subcore_axis_name="s")

    @functools.partial(
        pl.kernel,
        mesh=mesh,
        compiler_params=pltpu.CompilerParams(needs_layout_passes=False),
        out_type=[
            jax.ShapeDtypeStruct((_NW, _L), jnp.float32),
            jax.ShapeDtypeStruct((_NW, _L), jnp.float32),
        ],
        scratch_types=[
            pltpu.VMEM((n_nodes,), jnp.float32),
            [pltpu.VMEM((2, _CHUNK), jnp.int32) for _ in range(_NBUF)],
            pltpu.VMEM((_L,), jnp.int32),
            pltpu.VMEM((_L,), jnp.int32),
            pltpu.VMEM((_L,), jnp.float32),
            pltpu.VMEM((_L,), jnp.float32),
            [pltpu.SemaphoreType.DMA for _ in range(_NBUF)],
            pltpu.VMEM_SHARED((n_nodes,), jnp.float32),
        ],
    )
    def k(x_hbm, ei_hbm, hv_hbm, av_hbm, out_h, out_a,
          xtab, bufs, hvb, avb, sth, sta, sems, shtab):
        wid = lax.axis_index("s") * _NC + lax.axis_index("c")
        pltpu.sync_copy(hv_hbm, hvb)
        pltpu.sync_copy(av_hbm, avb)
        hv = hvb[...]
        av = avb[...]
        neg1 = jnp.full((_L,), -1, jnp.int32)
        zero = jnp.zeros((_L,), jnp.float32)

        def start(c, buf, sem):
            off = jnp.minimum(c, n_chunks - 1) * _CHUNK
            pltpu.make_async_copy(
                ei_hbm.at[:, pl.ds(off, _CHUNK)], buf, sem).start()

        def wait(buf, sem):
            pltpu.make_async_copy(
                ei_hbm.at[:, pl.ds(0, _CHUNK)], buf, sem).wait()

        def compute(buf, hvc, avc, carry):
            def vbody(i, carry2):
                ah, aa = carry2
                for u in range(_UNROLL):
                    o = (i * _UNROLL + u) * _L
                    s = buf[0, pl.ds(o, _L)]
                    d = buf[1, pl.ds(o, _L)]
                    vals = plsc.load_gather(xtab, [s])
                    ah = ah + jnp.where(d == hvc, vals, zero)
                    aa = aa + jnp.where(d == avc, vals, zero)
                return ah, aa

            return lax.fori_loop(0, _CHUNK // (_L * _UNROLL), vbody, carry)

        for i in range(_NBUF):
            start(wid + _NW * i, bufs[i], sems[i])

        @pl.when(lax.axis_index("s") == 0)
        def _():
            pltpu.sync_copy(x_hbm, shtab)

        plsc.subcore_barrier()
        pltpu.sync_copy(shtab, xtab)

        def body(j, carry):
            for i in range(_NBUF):
                kk = _NBUF * j + i
                c = wid + _NW * kk
                ok = jax.lax.broadcast_in_dim(c < n_chunks, (_L,), ())
                wait(bufs[i], sems[i])
                carry = compute(bufs[i], jnp.where(ok, hv, neg1),
                                jnp.where(ok, av, neg1), carry)

                @pl.when(kk + _NBUF < k_per_w)
                def _():
                    start(c + _NW * _NBUF, bufs[i], sems[i])

            return carry

        acc_h, acc_a = lax.fori_loop(0, k_per_w // _NBUF, body, (zero, zero))
        sth[...] = acc_h
        sta[...] = acc_a
        pltpu.sync_copy(sth, out_h.at[wid])
        pltpu.sync_copy(sta, out_a.at[wid])

    return k(x_flat, edge_index, home_vec, away_vec)


def kernel(x, edge_index, home, away, result):
    x_flat = x.reshape(-1)
    home_i = jnp.asarray(home, jnp.int32)
    away_i = jnp.asarray(away, jnp.int32)
    hv = jnp.full((_L,), home_i, dtype=jnp.int32)
    av = jnp.full((_L,), away_i, dtype=jnp.int32)
    out_h, out_a = _masked_edge_sums(x_flat, edge_index, hv, av)
    home_sum = out_h.sum()
    away_sum = out_a.sum()
    xh = x_flat[home_i]
    xa = x_flat[away_i]
    fh = jnp.where(result != 0, jax.nn.sigmoid(xh * 0.8 + home_sum), xh)
    fa = jnp.where(result != 0, jax.nn.sigmoid(xa * 0.8 + away_sum), xa)
    return jnp.sign(fh - fa).reshape(1)

# --- scband reference (transcript-rebuilt; emitter-appended) ---
"""Pipeline reference for scband-page-rank-9045201125843 (READ-ONLY COPY).

The authoritative reference and input builder live on the scoring server;
editing this copy changes nothing except your own understanding.
"""

import jax, jax.numpy as jnp
import numpy as np

N_NODES = 100000
N_EDGES = 6400000


def setup_inputs(seed: int = 0) -> dict:
    key = jax.random.key(seed)
    k1, k2 = jax.random.split(key)
    x = jax.random.normal(k1, (N_NODES, 1), dtype=jnp.float32)
    edge_index = jax.random.randint(k2, (2, N_EDGES), 0, N_NODES, dtype=jnp.int32)
    return {"x": x, "edge_index": edge_index, "home": 123, "away": 45678, "result": 2}


def reference(x, edge_index, home, away, result):
    # Faithful translation of PageRank.forward.
    # The torch module builds a star-shaped edge_index from win_lose_network and
    # plants it (with all-ones edge weights) into GCNConv._cached_edge_index,
    # which bypasses gcn_norm entirely. With weight fixed to ones(1,1) and bias=0,
    # the GCNConv reduces to an unnormalized scatter-add of source features onto
    # destination nodes: out[dst] += x[src].
    x = x.reshape(-1, 1)
    src = edge_index[0]
    dst = edge_index[1]
    msg = jnp.take(x, src, axis=0)  # gather: [E, 1]
    conv_out = jax.ops.segment_sum(msg, dst, num_segments=x.shape[0])  # scatter-add
    # data.x *= 0.8; data.x += conv_out; data.x = sigmoid(data.x)
    x = jnp.where(result != 0, jax.nn.sigmoid(x * 0.8 + conv_out), x)
    output = x[home] - x[away]
    return jnp.sign(output)

if __name__ == "__main__":
    import jax
    _d = setup_inputs()
    print(jax.jit(kernel)(*tuple(_d.values())))

</pallas_src>

<mosaic_0001>
#map = affine_map<(d0, d1) -> (0)>
#map1 = affine_map<(d0, d1) -> (0, 0)>
module attributes {stable_mosaic.version = 14 : i64} {
  func.func @k(%arg0: i32, %arg1: i32, %arg2: memref<100000xf32, #tpu.memory_space<hbm>>, %arg3: memref<2x6400000xi32, #tpu.memory_space<hbm>>, %arg4: memref<16xi32, #tpu.memory_space<hbm>>, %arg5: memref<16xi32, #tpu.memory_space<hbm>>, %arg6: memref<32x16xf32, #tpu.memory_space<hbm>>, %arg7: memref<32x16xf32, #tpu.memory_space<hbm>>, %arg8: memref<100000xf32, #tpu.memory_space<vmem>>, %arg9: memref<2x2560xi32, #tpu.memory_space<vmem>>, %arg10: memref<2x2560xi32, #tpu.memory_space<vmem>>, %arg11: memref<2x2560xi32, #tpu.memory_space<vmem>>, %arg12: memref<2x2560xi32, #tpu.memory_space<vmem>>, %arg13: memref<16xi32, #tpu.memory_space<vmem>>, %arg14: memref<16xi32, #tpu.memory_space<vmem>>, %arg15: memref<16xf32, #tpu.memory_space<vmem>>, %arg16: memref<16xf32, #tpu.memory_space<vmem>>, %arg17: memref<!tpu.dma_semaphore, #tpu.memory_space<semaphore_mem>>, %arg18: memref<!tpu.dma_semaphore, #tpu.memory_space<semaphore_mem>>, %arg19: memref<!tpu.dma_semaphore, #tpu.memory_space<semaphore_mem>>, %arg20: memref<!tpu.dma_semaphore, #tpu.memory_space<semaphore_mem>>, %arg21: memref<100000xf32, #tpu.memory_space<vmem_shared>>) attributes {dimension_semantics = [#tpu.dimension_semantics<core_parallel>, #tpu.dimension_semantics<subcore_parallel>], iteration_bounds = array<i64: 2, 16>, scalar_prefetch = 0 : i64, scratch_operands = 14 : i64, tpu.core_type = #tpu.core_type<sc_vector_subcore>, window_params = [{transform_indices = #map}, {transform_indices = #map1}, {transform_indices = #map}, {transform_indices = #map}, {transform_indices = #map1}, {transform_indices = #map1}]} {
    %mul3A = arith.constant 2 : i32
    %mul3A_0 = arith.muli %arg1, %mul3A : i32
    %add3A = arith.addi %mul3A_0, %arg0 : i32
    "tpu.region"() ({
      %run_scoped3A = tpu.sem_alloc : memref<!tpu.dma_semaphore, #tpu.memory_space<semaphore_mem>>
      tpu.enqueue_dma source(%arg4 : memref<16xi32, #tpu.memory_space<hbm>>) target(%arg13 : memref<16xi32, #tpu.memory_space<vmem>>) target_semaphore(%run_scoped3A : memref<!tpu.dma_semaphore, #tpu.memory_space<semaphore_mem>>)
      tpu.wait_dma2 semaphore(%run_scoped3A : memref<!tpu.dma_semaphore, #tpu.memory_space<semaphore_mem>>) src(%arg4 : memref<16xi32, #tpu.memory_space<hbm>>) dst(%arg13 : memref<16xi32, #tpu.memory_space<vmem>>)
      tpu.yield
    }) : () -> ()
    "tpu.region"() ({
      %run_scoped3A = tpu.sem_alloc : memref<!tpu.dma_semaphore, #tpu.memory_space<semaphore_mem>>
      tpu.enqueue_dma source(%arg5 : memref<16xi32, #tpu.memory_space<hbm>>) target(%arg14 : memref<16xi32, #tpu.memory_space<vmem>>) target_semaphore(%run_scoped3A : memref<!tpu.dma_semaphore, #tpu.memory_space<semaphore_mem>>)
      tpu.wait_dma2 semaphore(%run_scoped3A : memref<!tpu.dma_semaphore, #tpu.memory_space<semaphore_mem>>) src(%arg5 : memref<16xi32, #tpu.memory_space<hbm>>) dst(%arg14 : memref<16xi32, #tpu.memory_space<vmem>>)
      tpu.yield
    }) : () -> ()
    %get3A = arith.constant 0 : index
    %get3A_1 = tpu.vector_load %arg13[%get3A] {strides = array<i32>} : memref<16xi32, #tpu.memory_space<vmem>>, vector<16xi32>,
    %get3A_2 = arith.constant 0 : index
    %get3A_3 = tpu.vector_load %arg14[%get3A_2] {strides = array<i32>} : memref<16xi32, #tpu.memory_space<vmem>>, vector<16xi32>,
    %broadcast_in_dim3A = arith.constant -1 : i32
    %broadcast_in_dim3A_4 = vector.broadcast %broadcast_in_dim3A : i32 to vector<16xi32>
    %broadcast_in_dim3A_5 = arith.constant 0.000000e+00 : f32
    %broadcast_in_dim3A_6 = vector.broadcast %broadcast_in_dim3A_5 : f32 to vector<16xf32>
    %add3A_7 = arith.constant 0 : i32
    %add3A_8 = arith.addi %add3A, %add3A_7 : i32
    %min3A = arith.constant 2499 : i32
    %min3A_9 = arith.minsi %add3A_8, %min3A : i32
    %mul3A_10 = arith.constant 2560 : i32
    %mul3A_11 = arith.muli %min3A_9, %mul3A_10 : i32
    %dma_start3A = arith.constant 0 : i32
    %dma_start3A_12 = tpu.memref_slice %arg3[%dma_start3A, %mul3A_11] : memref<2x6400000xi32, #tpu.memory_space<hbm>> -> memref<2x2560xi32, #tpu.memory_space<hbm>>
    %dma_start3A_13 = arith.constant 0 : i32
    %dma_start3A_14 = tpu.memref_slice %arg3[%dma_start3A_13, %mul3A_11] : memref<2x6400000xi32, #tpu.memory_space<hbm>> -> memref<2x2560xi32, #tpu.memory_space<hbm>>
    tpu.enqueue_dma source(%dma_start3A_14 : memref<2x2560xi32, #tpu.memory_space<hbm>>) target(%arg9 : memref<2x2560xi32, #tpu.memory_space<vmem>>) target_semaphore(%arg17 : memref<!tpu.dma_semaphore, #tpu.memory_space<semaphore_mem>>)
    %add3A_15 = arith.constant 32 : i32
    %add3A_16 = arith.addi %add3A, %add3A_15 : i32
    %min3A_17 = arith.constant 2499 : i32
    %min3A_18 = arith.minsi %add3A_16, %min3A_17 : i32
    %mul3A_19 = arith.constant 2560 : i32
    %mul3A_20 = arith.muli %min3A_18, %mul3A_19 : i32
    %dma_start3A_21 = arith.constant 0 : i32
    %dma_start3A_22 = tpu.memref_slice %arg3[%dma_start3A_21, %mul3A_20] : memref<2x6400000xi32, #tpu.memory_space<hbm>> -> memref<2x2560xi32, #tpu.memory_space<hbm>>
    %dma_start3A_23 = arith.constant 0 : i32
    %dma_start3A_24 = tpu.memref_slice %arg3[%dma_start3A_23, %mul3A_20] : memref<2x6400000xi32, #tpu.memory_space<hbm>> -> memref<2x2560xi32, #tpu.memory_space<hbm>>
    tpu.enqueue_dma source(%dma_start3A_24 : memref<2x2560xi32, #tpu.memory_space<hbm>>) target(%arg10 : memref<2x2560xi32, #tpu.memory_space<vmem>>) target_semaphore(%arg18 : memref<!tpu.dma_semaphore, #tpu.memory_space<semaphore_mem>>)
    %add3A_25 = arith.constant 64 : i32
    %add3A_26 = arith.addi %add3A, %add3A_25 : i32
    %min3A_27 = arith.constant 2499 : i32
    %min3A_28 = arith.minsi %add3A_26, %min3A_27 : i32
    %mul3A_29 = arith.constant 2560 : i32
    %mul3A_30 = arith.muli %min3A_28, %mul3A_29 : i32
    %dma_start3A_31 = arith.constant 0 : i32
    %dma_start3A_32 = tpu.memref_slice %arg3[%dma_start3A_31, %mul3A_30] : memref<2x6400000xi32, #tpu.memory_space<hbm>> -> memref<2x2560xi32, #tpu.memory_space<hbm>>
    %dma_start3A_33 = arith.constant 0 : i32
    %dma_start3A_34 = tpu.memref_slice %arg3[%dma_start3A_33, %mul3A_30] : memref<2x6400000xi32, #tpu.memory_space<hbm>> -> memref<2x2560xi32, #tpu.memory_space<hbm>>
    tpu.enqueue_dma source(%dma_start3A_34 : memref<2x2560xi32, #tpu.memory_space<hbm>>) target(%arg11 : memref<2x2560xi32, #tpu.memory_space<vmem>>) target_semaphore(%arg19 : memref<!tpu.dma_semaphore, #tpu.memory_space<semaphore_mem>>)
    %add3A_35 = arith.constant 96 : i32
    %add3A_36 = arith.addi %add3A, %add3A_35 : i32
    %min3A_37 = arith.constant 2499 : i32
    %min3A_38 = arith.minsi %add3A_36, %min3A_37 : i32
    %mul3A_39 = arith.constant 2560 : i32
    %mul3A_40 = arith.muli %min3A_38, %mul3A_39 : i32
    %dma_start3A_41 = arith.constant 0 : i32
    %dma_start3A_42 = tpu.memref_slice %arg3[%dma_start3A_41, %mul3A_40] : memref<2x6400000xi32, #tpu.memory_space<hbm>> -> memref<2x2560xi32, #tpu.memory_space<hbm>>
    %dma_start3A_43 = arith.constant 0 : i32
    %dma_start3A_44 = tpu.memref_slice %arg3[%dma_start3A_43, %mul3A_40] : memref<2x6400000xi32, #tpu.memory_space<hbm>> -> memref<2x2560xi32, #tpu.memory_space<hbm>>
    tpu.enqueue_dma source(%dma_start3A_44 : memref<2x2560xi32, #tpu.memory_space<hbm>>) target(%arg12 : memref<2x2560xi32, #tpu.memory_space<vmem>>) target_semaphore(%arg20 : memref<!tpu.dma_semaphore, #tpu.memory_space<semaphore_mem>>)
    %eq3A = arith.constant 0 : i32
    %eq3A_45 = arith.cmpi eq, %arg1, %eq3A : i32
    %convert_element_type3A = arith.extui %eq3A_45 : i1 to i32
    %cond3A = arith.constant 0 : i32
    %cond3A_46 = arith.cmpi ne, %convert_element_type3A, %cond3A : i32
    scf.if %cond3A_46 {
      "tpu.region"() ({
        %run_scoped3A = tpu.sem_alloc : memref<!tpu.dma_semaphore, #tpu.memory_space<semaphore_mem>>
        tpu.enqueue_dma source(%arg2 : memref<100000xf32, #tpu.memory_space<hbm>>) target(%arg21 : memref<100000xf32, #tpu.memory_space<vmem_shared>>) target_semaphore(%run_scoped3A : memref<!tpu.dma_semaphore, #tpu.memory_space<semaphore_mem>>)
        tpu.wait_dma2 semaphore(%run_scoped3A : memref<!tpu.dma_semaphore, #tpu.memory_space<semaphore_mem>>) src(%arg2 : memref<100000xf32, #tpu.memory_space<hbm>>) dst(%arg21 : memref<100000xf32, #tpu.memory_space<vmem_shared>>)
        tpu.yield
      }) : () -> ()
    } else {
    }
    %barrier3A = arith.constant 0 : index
    tpu.barrier barrier_id(%barrier3A)
    "tpu.region"() ({
      %run_scoped3A = tpu.sem_alloc : memref<!tpu.dma_semaphore, #tpu.memory_space<semaphore_mem>>
      tpu.enqueue_dma source(%arg21 : memref<100000xf32, #tpu.memory_space<vmem_shared>>) target(%arg8 : memref<100000xf32, #tpu.memory_space<vmem>>) target_semaphore(%run_scoped3A : memref<!tpu.dma_semaphore, #tpu.memory_space<semaphore_mem>>)
      tpu.wait_dma2 semaphore(%run_scoped3A : memref<!tpu.dma_semaphore, #tpu.memory_space<semaphore_mem>>) src(%arg21 : memref<100000xf32, #tpu.memory_space<vmem_shared>>) dst(%arg8 : memref<100000xf32, #tpu.memory_space<vmem>>)
      tpu.yield
    }) : () -> ()
    %scan3A = arith.constant 0 : i32
    %scan3A_47 = arith.constant 20 : i32
    %scan3A_48 = arith.addi %scan3A, %scan3A_47 : i32
    %scan3A_49 = arith.constant 1 : i32
    %scan3A_50:2 = scf.for %scan3A_55 = %scan3A to %scan3A_48 step %scan3A_49 iter_args(%scan3A_56 = %broadcast_in_dim3A_6, %scan3A_57 = %broadcast_in_dim3A_6) -> (vector<16xf32>, vector<16xf32>)  : i32 {
      %mul3A_58 = arith.constant 4 : i32
      %mul3A_59 = arith.muli %mul3A_58, %scan3A_55 : i32
      %add3A_60 = arith.constant 0 : i32
      %add3A_61 = arith.addi %mul3A_59, %add3A_60 : i32
      %mul3A_62 = arith.constant 32 : i32
      %mul3A_63 = arith.muli %mul3A_62, %add3A_61 : i32
      %add3A_64 = arith.addi %add3A, %mul3A_63 : i32
      %lt3A = arith.constant 2500 : i32
      %lt3A_65 = arith.cmpi slt, %add3A_64, %lt3A : i32
      %broadcast_in_dim3A_66 = vector.broadcast %lt3A_65 : i1 to vector<16xi1>
      %dma_wait3A = arith.constant 0 : i32
      %dma_wait3A_67 = arith.constant 0 : i32
      %dma_wait3A_68 = tpu.memref_slice %arg3[%dma_wait3A, %dma_wait3A_67] : memref<2x6400000xi32, #tpu.memory_space<hbm>> -> memref<2x2560xi32, #tpu.memory_space<hbm>>
      %dma_wait3A_69 = arith.constant 0 : i32
      %dma_wait3A_70 = arith.constant 0 : i32
      %dma_wait3A_71 = tpu.memref_slice %arg3[%dma_wait3A_69, %dma_wait3A_70] : memref<2x6400000xi32, #tpu.memory_space<hbm>> -> memref<2x2560xi32, #tpu.memory_space<hbm>>
      tpu.wait_dma2 semaphore(%arg17 : memref<!tpu.dma_semaphore, #tpu.memory_space<semaphore_mem>>) src(%dma_wait3A_71 : memref<2x2560xi32, #tpu.memory_space<hbm>>) dst(%arg9 : memref<2x2560xi32, #tpu.memory_space<vmem>>)
      %select_n3A = arith.select %broadcast_in_dim3A_66, %get3A_1, %broadcast_in_dim3A_4 : vector<16xi1>, vector<16xi32>
      %select_n3A_72 = arith.select %broadcast_in_dim3A_66, %get3A_3, %broadcast_in_dim3A_4 : vector<16xi1>, vector<16xi32>
      %scan3A_73 = arith.constant 0 : i32
      %scan3A_74 = arith.constant 10 : i32
      %scan3A_75 = arith.addi %scan3A_73, %scan3A_74 : i32
      %scan3A_76 = arith.constant 1 : i32
      %scan3A_77:2 = scf.for %scan3A_179 = %scan3A_73 to %scan3A_75 step %scan3A_76 iter_args(%scan3A_180 = %scan3A_56, %scan3A_181 = %scan3A_57) -> (vector<16xf32>, vector<16xf32>)  : i32 {
        %mul3A_182 = arith.constant 16 : i32
        %mul3A_183 = arith.muli %scan3A_179, %mul3A_182 : i32
        %add3A_184 = arith.constant 0 : i32
        %add3A_185 = arith.addi %mul3A_183, %add3A_184 : i32
        %mul3A_186 = arith.constant 16 : i32
        %mul3A_187 = arith.muli %add3A_185, %mul3A_186 : i32
        %get3A_188 = arith.constant 0 : i32
        %get3A_189 = arith.index_cast %get3A_188 : i32 to index
        %get3A_190 = arith.index_cast %mul3A_187 : i32 to index
        %get3A_191 = tpu.vector_load %arg9[%get3A_189, %get3A_190] {strides = array<i32>} : memref<2x2560xi32, #tpu.memory_space<vmem>>, vector<16xi32>,
        %get3A_192 = arith.constant 1 : i32
        %get3A_193 = arith.index_cast %get3A_192 : i32 to index
        %get3A_194 = arith.index_cast %mul3A_187 : i32 to index
        %get3A_195 = tpu.vector_load %arg9[%get3A_193, %get3A_194] {strides = array<i32>} : memref<2x2560xi32, #tpu.memory_space<vmem>>, vector<16xi32>,
        %gather3A = tpu.vector_load_idx %arg8[%get3A_191] : memref<100000xf32, #tpu.memory_space<vmem>>[vector<16xi32>], vector<16xf32>,
        %eq3A_196 = arith.cmpi eq, %get3A_195, %select_n3A : vector<16xi32>
        %select_n3A_197 = arith.select %eq3A_196, %gather3A, %broadcast_in_dim3A_6 : vector<16xi1>, vector<16xf32>
        %add3A_198 = arith.addf %scan3A_180, %select_n3A_197 : vector<16xf32>
        %eq3A_199 = arith.cmpi eq, %get3A_195, %select_n3A_72 : vector<16xi32>
        %select_n3A_200 = arith.select %eq3A_199, %gather3A, %broadcast_in_dim3A_6 : vector<16xi1>, vector<16xf32>
        %add3A_201 = arith.addf %scan3A_181, %select_n3A_200 : vector<16xf32>
        %mul3A_202 = arith.constant 16 : i32
        %mul3A_203 = arith.muli %scan3A_179, %mul3A_202 : i32
        %add3A_204 = arith.constant 1 : i32
        %add3A_205 = arith.addi %mul3A_203, %add3A_204 : i32
        %mul3A_206 = arith.constant 16 : i32
        %mul3A_207 = arith.muli %add3A_205, %mul3A_206 : i32
        %get3A_208 = arith.constant 0 : i32
        %get3A_209 = arith.index_cast %get3A_208 : i32 to index
        %get3A_210 = arith.index_cast %mul3A_207 : i32 to index
        %get3A_211 = tpu.vector_load %arg9[%get3A_209, %get3A_210] {strides = array<i32>} : memref<2x2560xi32, #tpu.memory_space<vmem>>, vector<16xi32>,
        %get3A_212 = arith.constant 1 : i32
        %get3A_213 = arith.index_cast %get3A_212 : i32 to index
        %get3A_214 = arith.index_cast %mul3A_207 : i32 to index
        %get3A_215 = tpu.vector_load %arg9[%get3A_213, %get3A_214] {strides = array<i32>} : memref<2x2560xi32, #tpu.memory_space<vmem>>, vector<16xi32>,
        %gather3A_216 = tpu.vector_load_idx %arg8[%get3A_211] : memref<100000xf32, #tpu.memory_space<vmem>>[vector<16xi32>], vector<16xf32>,
        %eq3A_217 = arith.cmpi eq, %get3A_215, %select_n3A : vector<16xi32>
        %select_n3A_218 = arith.select %eq3A_217, %gather3A_216, %broadcast_in_dim3A_6 : vector<16xi1>, vector<16xf32>
        %add3A_219 = arith.addf %add3A_198, %select_n3A_218 : vector<16xf32>
        %eq3A_220 = arith.cmpi eq, %get3A_215, %select_n3A_72 : vector<16xi32>
        %select_n3A_221 = arith.select %eq3A_220, %gather3A_216, %broadcast_in_dim3A_6 : vector<16xi1>, vector<16xf32>
        %add3A_222 = arith.addf %add3A_201, %select_n3A_221 : vector<16xf32>
        %mul3A_223 = arith.constant 16 : i32
        %mul3A_224 = arith.muli %scan3A_179, %mul3A_223 : i32
        %add3A_225 = arith.constant 2 : i32
        %add3A_226 = arith.addi %mul3A_224, %add3A_225 : i32
        %mul3A_227 = arith.constant 16 : i32
        %mul3A_228 = arith.muli %add3A_226, %mul3A_227 : i32
        %get3A_229 = arith.constant 0 : i32
        %get3A_230 = arith.index_cast %get3A_229 : i32 to index
        %get3A_231 = arith.index_cast %mul3A_228 : i32 to index
        %get3A_232 = tpu.vector_load %arg9[%get3A_230, %get3A_231] {strides = array<i32>} : memref<2x2560xi32, #tpu.memory_space<vmem>>, vector<16xi32>,
        %get3A_233 = arith.constant 1 : i32
        %get3A_234 = arith.index_cast %get3A_233 : i32 to index
        %get3A_235 = arith.index_cast %mul3A_228 : i32 to index
        %get3A_236 = tpu.vector_load %arg9[%get3A_234, %get3A_235] {strides = array<i32>} : memref<2x2560xi32, #tpu.memory_space<vmem>>, vector<16xi32>,
        %gather3A_237 = tpu.vector_load_idx %arg8[%get3A_232] : memref<100000xf32, #tpu.memory_space<vmem>>[vector<16xi32>], vector<16xf32>,
        %eq3A_238 = arith.cmpi eq, %get3A_236, %select_n3A : vector<16xi32>
        %select_n3A_239 = arith.select %eq3A_238, %gather3A_237, %broadcast_in_dim3A_6 : vector<16xi1>, vector<16xf32>
        %add3A_240 = arith.addf %add3A_219, %select_n3A_239 : vector<16xf32>
        %eq3A_241 = arith.cmpi eq, %get3A_236, %select_n3A_72 : vector<16xi32>
        %select_n3A_242 = arith.select %eq3A_241, %gather3A_237, %broadcast_in_dim3A_6 : vector<16xi1>, vector<16xf32>
        %add3A_243 = arith.addf %add3A_222, %select_n3A_242 : vector<16xf32>
        %mul3A_244 = arith.constant 16 : i32
        %mul3A_245 = arith.muli %scan3A_179, %mul3A_244 : i32
        %add3A_246 = arith.constant 3 : i32
        %add3A_247 = arith.addi %mul3A_245, %add3A_246 : i32
        %mul3A_248 = arith.constant 16 : i32
        %mul3A_249 = arith.muli %add3A_247, %mul3A_248 : i32
        %get3A_250 = arith.constant 0 : i32
        %get3A_251 = arith.index_cast %get3A_250 : i32 to index
        %get3A_252 = arith.index_cast %mul3A_249 : i32 to index
        %get3A_253 = tpu.vector_load %arg9[%get3A_251, %get3A_252] {strides = array<i32>} : memref<2x2560xi32, #tpu.memory_space<vmem>>, vector<16xi32>,
        %get3A_254 = arith.constant 1 : i32
        %get3A_255 = arith.index_cast %get3A_254 : i32 to index
        %get3A_256 = arith.index_cast %mul3A_249 : i32 to index
        %get3A_257 = tpu.vector_load %arg9[%get3A_255, %get3A_256] {strides = array<i32>} : memref<2x2560xi32, #tpu.memory_space<vmem>>, vector<16xi32>,
        %gather3A_258 = tpu.vector_load_idx %arg8[%get3A_253] : memref<100000xf32, #tpu.memory_space<vmem>>[vector<16xi32>], vector<16xf32>,
        %eq3A_259 = arith.cmpi eq, %get3A_257, %select_n3A : vector<16xi32>
        %select_n3A_260 = arith.select %eq3A_259, %gather3A_258, %broadcast_in_dim3A_6 : vector<16xi1>, vector<16xf32>
        %add3A_261 = arith.addf %add3A_240, %select_n3A_260 : vector<16xf32>
        %eq3A_262 = arith.cmpi eq, %get3A_257, %select_n3A_72 : vector<16xi32>
        %select_n3A_263 = arith.select %eq3A_262, %gather3A_258, %broadcast_in_dim3A_6 : vector<16xi1>, vector<16xf32>
        %add3A_264 = arith.addf %add3A_243, %select_n3A_263 : vector<16xf32>
        %mul3A_265 = arith.constant 16 : i32
        %mul3A_266 = arith.muli %scan3A_179, %mul3A_265 : i32
        %add3A_267 = arith.constant 4 : i32
        %add3A_268 = arith.addi %mul3A_266, %add3A_267 : i32
        %mul3A_269 = arith.constant 16 : i32
        %mul3A_270 = arith.muli %add3A_268, %mul3A_269 : i32
        %get3A_271 = arith.constant 0 : i32
        %get3A_272 = arith.index_cast %get3A_271 : i32 to index
        %get3A_273 = arith.index_cast %mul3A_270 : i32 to index
        %get3A_274 = tpu.vector_load %arg9[%get3A_272, %get3A_273] {strides = array<i32>} : memref<2x2560xi32, #tpu.memory_space<vmem>>, vector<16xi32>,
        %get3A_275 = arith.constant 1 : i32
        %get3A_276 = arith.index_cast %get3A_275 : i32 to index
        %get3A_277 = arith.index_cast %mul3A_270 : i32 to index
        %get3A_278 = tpu.vector_load %arg9[%get3A_276, %get3A_277] {strides = array<i32>} : memref<2x2560xi32, #tpu.memory_space<vmem>>, vector<16xi32>,
        %gather3A_279 = tpu.vector_load_idx %arg8[%get3A_274] : memref<100000xf32, #tpu.memory_space<vmem>>[vector<16xi32>], vector<16xf32>,
        %eq3A_280 = arith.cmpi eq, %get3A_278, %select_n3A : vector<16xi32>
        %select_n3A_281 = arith.select %eq3A_280, %gather3A_279, %broadcast_in_dim3A_6 : vector<16xi1>, vector<16xf32>
        %add3A_282 = arith.addf %add3A_261, %select_n3A_281 : vector<16xf32>
        %eq3A_283 = arith.cmpi eq, %get3A_278, %select_n3A_72 : vector<16xi32>
        %select_n3A_284 = arith.select %eq3A_283, %gather3A_279, %broadcast_in_dim3A_6 : vector<16xi1>, vector<16xf32>
        %add3A_285 = arith.addf %add3A_264, %select_n3A_284 : vector<16xf32>
        %mul3A_286 = arith.constant 16 : i32
        %mul3A_287 = arith.muli %scan3A_179, %mul3A_286 : i32
        %add3A_288 = arith.constant 5 : i32
        %add3A_289 = arith.addi %mul3A_287, %add3A_288 : i32
        %mul3A_290 = arith.constant 16 : i32
        %mul3A_291 = arith.muli %add3A_289, %mul3A_290 : i32
        %get3A_292 = arith.constant 0 : i32
        %get3A_293 = arith.index_cast %get3A_292 : i32 to index
        %get3A_294 = arith.index_cast %mul3A_291 : i32 to index
        %get3A_295 = tpu.vector_load %arg9[%get3A_293, %get3A_294] {strides = array<i32>} : memref<2x2560xi32, #tpu.memory_space<vmem>>, vector<16xi32>,
        %get3A_296 = arith.constant 1 : i32
        %get3A_297 = arith.index_cast %get3A_296 : i32 to index
        %get3A_298 = arith.index_cast %mul3A_291 : i32 to index
        %get3A_299 = tpu.vector_load %arg9[%get3A_297, %get3A_298] {strides = array<i32>} : memref<2x2560xi32, #tpu.memory_space<vmem>>, vector<16xi32>,
        %gather3A_300 = tpu.vector_load_idx %arg8[%get3A_295] : memref<100000xf32, #tpu.memory_space<vmem>>[vector<16xi32>], vector<16xf32>,
        %eq3A_301 = arith.cmpi eq, %get3A_299, %select_n3A : vector<16xi32>
        %select_n3A_302 = arith.select %eq3A_301, %gather3A_300, %broadcast_in_dim3A_6 : vector<16xi1>, vector<16xf32>
        %add3A_303 = arith.addf %add3A_282, %select_n3A_302 : vector<16xf32>
        %eq3A_304 = arith.cmpi eq, %get3A_299, %select_n3A_72 : vector<16xi32>
        %select_n3A_305 = arith.select %eq3A_304, %gather3A_300, %broadcast_in_dim3A_6 : vector<16xi1>, vector<16xf32>
        %add3A_306 = arith.addf %add3A_285, %select_n3A_305 : vector<16xf32>
        %mul3A_307 = arith.constant 16 : i32
        %mul3A_308 = arith.muli %scan3A_179, %mul3A_307 : i32
        %add3A_309 = arith.constant 6 : i32
        %add3A_310 = arith.addi %mul3A_308, %add3A_309 : i32
        %mul3A_311 = arith.constant 16 : i32
        %mul3A_312 = arith.muli %add3A_310, %mul3A_311 : i32
        %get3A_313 = arith.constant 0 : i32
        %get3A_314 = arith.index_cast %get3A_313 : i32 to index
        %get3A_315 = arith.index_cast %mul3A_312 : i32 to index
        %get3A_316 = tpu.vector_load %arg9[%get3A_314, %get3A_315] {strides = array<i32>} : memref<2x2560xi32, #tpu.memory_space<vmem>>, vector<16xi32>,
        %get3A_317 = arith.constant 1 : i32
        %get3A_318 = arith.index_cast %get3A_317 : i32 to index
        %get3A_319 = arith.index_cast %mul3A_312 : i32 to index
        %get3A_320 = tpu.vector_load %arg9[%get3A_318, %get3A_319] {strides = array<i32>} : memref<2x2560xi32, #tpu.memory_space<vmem>>, vector<16xi32>,
        %gather3A_321 = tpu.vector_load_idx %arg8[%get3A_316] : memref<100000xf32, #tpu.memory_space<vmem>>[vector<16xi32>], vector<16xf32>,
        %eq3A_322 = arith.cmpi eq, %get3A_320, %select_n3A : vector<16xi32>
        %select_n3A_323 = arith.select %eq3A_322, %gather3A_321, %broadcast_in_dim3A_6 : vector<16xi1>, vector<16xf32>
        %add3A_324 = arith.addf %add3A_303, %select_n3A_323 : vector<16xf32>
        %eq3A_325 = arith.cmpi eq, %get3A_320, %select_n3A_72 : vector<16xi32>
        %select_n3A_326 = arith.select %eq3A_325, %gather3A_321, %broadcast_in_dim3A_6 : vector<16xi1>, vector<16xf32>
        %add3A_327 = arith.addf %add3A_306, %select_n3A_326 : vector<16xf32>
        %mul3A_328 = arith.constant 16 : i32
        %mul3A_329 = arith.muli %scan3A_179, %mul3A_328 : i32
        %add3A_330 = arith.constant 7 : i32
        %add3A_331 = arith.addi %mul3A_329, %add3A_330 : i32
        %mul3A_332 = arith.constant 16 : i32
        %mul3A_333 = arith.muli %add3A_331, %mul3A_332 : i32
        %get3A_334 = arith.constant 0 : i32
        %get3A_335 = arith.index_cast %get3A_334 : i32 to index
        %get3A_336 = arith.index_cast %mul3A_333 : i32 to index
        %get3A_337 = tpu.vector_load %arg9[%get3A_335, %get3A_336] {strides = array<i32>} : memref<2x2560xi32, #tpu.memory_space<vmem>>, vector<16xi32>,
        %get3A_338 = arith.constant 1 : i32
        %get3A_339 = arith.index_cast %get3A_338 : i32 to index
        %get3A_340 = arith.index_cast %mul3A_333 : i32 to index
        %get3A_341 = tpu.vector_load %arg9[%get3A_339, %get3A_340] {strides = array<i32>} : memref<2x2560xi32, #tpu.memory_space<vmem>>, vector<16xi32>,
        %gather3A_342 = tpu.vector_load_idx %arg8[%get3A_337] : memref<100000xf32, #tpu.memory_space<vmem>>[vector<16xi32>], vector<16xf32>,
        %eq3A_343 = arith.cmpi eq, %get3A_341, %select_n3A : vector<16xi32>
        %select_n3A_344 = arith.select %eq3A_343, %gather3A_342, %broadcast_in_dim3A_6 : vector<16xi1>, vector<16xf32>
        %add3A_345 = arith.addf %add3A_324, %select_n3A_344 : vector<16xf32>
        %eq3A_346 = arith.cmpi eq, %get3A_341, %select_n3A_72 : vector<16xi32>
        %select_n3A_347 = arith.select %eq3A_346, %gather3A_342, %broadcast_in_dim3A_6 : vector<16xi1>, vector<16xf32>
        %add3A_348 = arith.addf %add3A_327, %select_n3A_347 : vector<16xf32>
        %mul3A_349 = arith.constant 16 : i32
        %mul3A_350 = arith.muli %scan3A_179, %mul3A_349 : i32
        %add3A_351 = arith.constant 8 : i32
        %add3A_352 = arith.addi %mul3A_350, %add3A_351 : i32
        %mul3A_353 = arith.constant 16 : i32
        %mul3A_354 = arith.muli %add3A_352, %mul3A_353 : i32
        %get3A_355 = arith.constant 0 : i32
        %get3A_356 = arith.index_cast %get3A_355 : i32 to index
        %get3A_357 = arith.index_cast %mul3A_354 : i32 to index
        %get3A_358 = tpu.vector_load %arg9[%get3A_356, %get3A_357] {strides = array<i32>} : memref<2x2560xi32, #tpu.memory_space<vmem>>, vector<16xi32>,
        %get3A_359 = arith.constant 1 : i32
        %get3A_360 = arith.index_cast %get3A_359 : i32 to index
        %get3A_361 = arith.index_cast %mul3A_354 : i32 to index
        %get3A_362 = tpu.vector_load %arg9[%get3A_360, %get3A_361] {strides = array<i32>} : memref<2x2560xi32, #tpu.memory_space<vmem>>, vector<16xi32>,
        %gather3A_363 = tpu.vector_load_idx %arg8[%get3A_358] : memref<100000xf32, #tpu.memory_space<vmem>>[vector<16xi32>], vector<16xf32>,
        %eq3A_364 = arith.cmpi eq, %get3A_362, %select_n3A : vector<16xi32>
        %select_n3A_365 = arith.select %eq3A_364, %gather3A_363, %broadcast_in_dim3A_6 : vector<16xi1>, vector<16xf32>
        %add3A_366 = arith.addf %add3A_345, %select_n3A_365 : vector<16xf32>
        %eq3A_367 = arith.cmpi eq, %get3A_362, %select_n3A_72 : vector<16xi32>
        %select_n3A_368 = arith.select %eq3A_367, %gather3A_363, %broadcast_in_dim3A_6 : vector<16xi1>, vector<16xf32>
        %add3A_369 = arith.addf %add3A_348, %select_n3A_368 : vector<16xf32>
        %mul3A_370 = arith.constant 16 : i32
        %mul3A_371 = arith.muli %scan3A_179, %mul3A_370 : i32
        %add3A_372 = arith.constant 9 : i32
        %add3A_373 = arith.addi %mul3A_371, %add3A_372 : i32
        %mul3A_374 = arith.constant 16 : i32
        %mul3A_375 = arith.muli %add3A_373, %mul3A_374 : i32
        %get3A_376 = arith.constant 0 : i32
        %get3A_377 = arith.index_cast %get3A_376 : i32 to index
        %get3A_378 = arith.index_cast %mul3A_375 : i32 to index
        %get3A_379 = tpu.vector_load %arg9[%get3A_377, %get3A_378] {strides = array<i32>} : memref<2x2560xi32, #tpu.memory_space<vmem>>, vector<16xi32>,
        %get3A_380 = arith.constant 1 : i32
        %get3A_381 = arith.index_cast %get3A_380 : i32 to index
        %get3A_382 = arith.index_cast %mul3A_375 : i32 to index
        %get3A_383 = tpu.vector_load %arg9[%get3A_381, %get3A_382] {strides = array<i32>} : memref<2x2560xi32, #tpu.memory_space<vmem>>, vector<16xi32>,
        %gather3A_384 = tpu.vector_load_idx %arg8[%get3A_379] : memref<100000xf32, #tpu.memory_space<vmem>>[vector<16xi32>], vector<16xf32>,
        %eq3A_385 = arith.cmpi eq, %get3A_383, %select_n3A : vector<16xi32>
        %select_n3A_386 = arith.select %eq3A_385, %gather3A_384, %broadcast_in_dim3A_6 : vector<16xi1>, vector<16xf32>
        %add3A_387 = arith.addf %add3A_366, %select_n3A_386 : vector<16xf32>
        %eq3A_388 = arith.cmpi eq, %get3A_383, %select_n3A_72 : vector<16xi32>
        %select_n3A_389 = arith.select %eq3A_388, %gather3A_384, %broadcast_in_dim3A_6 : vector<16xi1>, vector<16xf32>
        %add3A_390 = arith.addf %add3A_369, %select_n3A_389 : vector<16xf32>
        %mul3A_391 = arith.constant 16 : i32
        %mul3A_392 = arith.muli %scan3A_179, %mul3A_391 : i32
        %add3A_393 = arith.constant 10 : i32
        %add3A_394 = arith.addi %mul3A_392, %add3A_393 : i32
        %mul3A_395 = arith.constant 16 : i32
        %mul3A_396 = arith.muli %add3A_394, %mul3A_395 : i32
        %get3A_397 = arith.constant 0 : i32
        %get3A_398 = arith.index_cast %get3A_397 : i32 to index
        %get3A_399 = arith.index_cast %mul3A_396 : i32 to index
        %get3A_400 = tpu.vector_load %arg9[%get3A_398, %get3A_399] {strides = array<i32>} : memref<2x2560xi32, #tpu.memory_space<vmem>>, vector<16xi32>,
        %get3A_401 = arith.constant 1 : i32
        %get3A_402 = arith.index_cast %get3A_401 : i32 to index
        %get3A_403 = arith.index_cast %mul3A_396 : i32 to index
        %get3A_404 = tpu.vector_load %arg9[%get3A_402, %get3A_403] {strides = array<i32>} : memref<2x2560xi32, #tpu.memory_space<vmem>>, vector<16xi32>,
        %gather3A_405 = tpu.vector_load_idx %arg8[%get3A_400] : memref<100000xf32, #tpu.memory_space<vmem>>[vector<16xi32>], vector<16xf32>,
        %eq3A_406 = arith.cmpi eq, %get3A_404, %select_n3A : vector<16xi32>
        %select_n3A_407 = arith.select %eq3A_406, %gather3A_405, %broadcast_in_dim3A_6 : vector<16xi1>, vector<16xf32>
        %add3A_408 = arith.addf %add3A_387, %select_n3A_407 : vector<16xf32>
        %eq3A_409 = arith.cmpi eq, %get3A_404, %select_n3A_72 : vector<16xi32>
        %select_n3A_410 = arith.select %eq3A_409, %gather3A_405, %broadcast_in_dim3A_6 : vector<16xi1>, vector<16xf32>
        %add3A_411 = arith.addf %add3A_390, %select_n3A_410 : vector<16xf32>
        %mul3A_412 = arith.constant 16 : i32
        %mul3A_413 = arith.muli %scan3A_179, %mul3A_412 : i32
        %add3A_414 = arith.constant 11 : i32
        %add3A_415 = arith.addi %mul3A_413, %add3A_414 : i32
        %mul3A_416 = arith.constant 16 : i32
        %mul3A_417 = arith.muli %add3A_415, %mul3A_416 : i32
        %get3A_418 = arith.constant 0 : i32
        %get3A_419 = arith.index_cast %get3A_418 : i32 to index
        %get3A_420 = arith.index_cast %mul3A_417 : i32 to index
        %get3A_421 = tpu.vector_load %arg9[%get3A_419, %get3A_420] {strides = array<i32>} : memref<2x2560xi32, #tpu.memory_space<vmem>>, vector<16xi32>,
        %get3A_422 = arith.constant 1 : i32
        %get3A_423 = arith.index_cast %get3A_422 : i32 to index
        %get3A_424 = arith.index_cast %mul3A_417 : i32 to index
        %get3A_425 = tpu.vector_load %arg9[%get3A_423, %get3A_424] {strides = array<i32>} : memref<2x2560xi32, #tpu.memory_space<vmem>>, vector<16xi32>,
        %gather3A_426 = tpu.vector_load_idx %arg8[%get3A_421] : memref<100000xf32, #tpu.memory_space<vmem>>[vector<16xi32>], vector<16xf32>,
        %eq3A_427 = arith.cmpi eq, %get3A_425, %select_n3A : vector<16xi32>
        %select_n3A_428 = arith.select %eq3A_427, %gather3A_426, %broadcast_in_dim3A_6 : vector<16xi1>, vector<16xf32>
        %add3A_429 = arith.addf %add3A_408, %select_n3A_428 : vector<16xf32>
        %eq3A_430 = arith.cmpi eq, %get3A_425, %select_n3A_72 : vector<16xi32>
        %select_n3A_431 = arith.select %eq3A_430, %gather3A_426, %broadcast_in_dim3A_6 : vector<16xi1>, vector<16xf32>
        %add3A_432 = arith.addf %add3A_411, %select_n3A_431 : vector<16xf32>
        %mul3A_433 = arith.constant 16 : i32
        %mul3A_434 = arith.muli %scan3A_179, %mul3A_433 : i32
        %add3A_435 = arith.constant 12 : i32
        %add3A_436 = arith.addi %mul3A_434, %add3A_435 : i32
        %mul3A_437 = arith.constant 16 : i32
        %mul3A_438 = arith.muli %add3A_436, %mul3A_437 : i32
        %get3A_439 = arith.constant 0 : i32
        %get3A_440 = arith.index_cast %get3A_439 : i32 to index
        %get3A_441 = arith.index_cast %mul3A_438 : i32 to index
        %get3A_442 = tpu.vector_load %arg9[%get3A_440, %get3A_441] {strides = array<i32>} : memref<2x2560xi32, #tpu.memory_space<vmem>>, vector<16xi32>,
        %get3A_443 = arith.constant 1 : i32
        %get3A_444 = arith.index_cast %get3A_443 : i32 to index
        %get3A_445 = arith.index_cast %mul3A_438 : i32 to index
        %get3A_446 = tpu.vector_load %arg9[%get3A_444, %get3A_445] {strides = array<i32>} : memref<2x2560xi32, #tpu.memory_space<vmem>>, vector<16xi32>,
        %gather3A_447 = tpu.vector_load_idx %arg8[%get3A_442] : memref<100000xf32, #tpu.memory_space<vmem>>[vector<16xi32>], vector<16xf32>,
        %eq3A_448 = arith.cmpi eq, %get3A_446, %select_n3A : vector<16xi32>
        %select_n3A_449 = arith.select %eq3A_448, %gather3A_447, %broadcast_in_dim3A_6 : vector<16xi1>, vector<16xf32>
        %add3A_450 = arith.addf %add3A_429, %select_n3A_449 : vector<16xf32>
        %eq3A_451 = arith.cmpi eq, %get3A_446, %select_n3A_72 : vector<16xi32>
        %select_n3A_452 = arith.select %eq3A_451, %gather3A_447, %broadcast_in_dim3A_6 : vector<16xi1>, vector<16xf32>
        %add3A_453 = arith.addf %add3A_432, %select_n3A_452 : vector<16xf32>
        %mul3A_454 = arith.constant 16 : i32
        %mul3A_455 = arith.muli %scan3A_179, %mul3A_454 : i32
        %add3A_456 = arith.constant 13 : i32
        %add3A_457 = arith.addi %mul3A_455, %add3A_456 : i32
        %mul3A_458 = arith.constant 16 : i32
        %mul3A_459 = arith.muli %add3A_457, %mul3A_458 : i32
        %get3A_460 = arith.constant 0 : i32
        %get3A_461 = arith.index_cast %get3A_460 : i32 to index
        %get3A_462 = arith.index_cast %mul3A_459 : i32 to index
        %get3A_463 = tpu.vector_load %arg9[%get3A_461, %get3A_462] {strides = array<i32>} : memref<2x2560xi32, #tpu.memory_space<vmem>>, vector<16xi32>,
        %get3A_464 = arith.constant 1 : i32
        %get3A_465 = arith.index_cast %get3A_464 : i32 to index
        %get3A_466 = arith.index_cast %mul3A_459 : i32 to index
        %get3A_467 = tpu.vector_load %arg9[%get3A_465, %get3A_466] {strides = array<i32>} : memref<2x2560xi32, #tpu.memory_space<vmem>>, vector<16xi32>,
        %gather3A_468 = tpu.vector_load_idx %arg8[%get3A_463] : memref<100000xf32, #tpu.memory_space<vmem>>[vector<16xi32>], vector<16xf32>,
        %eq3A_469 = arith.cmpi eq, %get3A_467, %select_n3A : vector<16xi32>
        %select_n3A_470 = arith.select %eq3A_469, %gather3A_468, %broadcast_in_dim3A_6 : vector<16xi1>, vector<16xf32>
        %add3A_471 = arith.addf %add3A_450, %select_n3A_470 : vector<16xf32>
        %eq3A_472 = arith.cmpi eq, %get3A_467, %select_n3A_72 : vector<16xi32>
        %select_n3A_473 = arith.select %eq3A_472, %gather3A_468, %broadcast_in_dim3A_6 : vector<16xi1>, vector<16xf32>
        %add3A_474 = arith.addf %add3A_453, %select_n3A_473 : vector<16xf32>
        %mul3A_475 = arith.constant 16 : i32
        %mul3A_476 = arith.muli %scan3A_179, %mul3A_475 : i32
        %add3A_477 = arith.constant 14 : i32
        %add3A_478 = arith.addi %mul3A_476, %add3A_477 : i32
        %mul3A_479 = arith.constant 16 : i32
        %mul3A_480 = arith.muli %add3A_478, %mul3A_479 : i32
        %get3A_481 = arith.constant 0 : i32
        %get3A_482 = arith.index_cast %get3A_481 : i32 to index
        %get3A_483 = arith.index_cast %mul3A_480 : i32 to index
        %get3A_484 = tpu.vector_load %arg9[%get3A_482, %get3A_483] {strides = array<i32>} : memref<2x2560xi32, #tpu.memory_space<vmem>>, vector<16xi32>,
        %get3A_485 = arith.constant 1 : i32
        %get3A_486 = arith.index_cast %get3A_485 : i32 to index
        %get3A_487 = arith.index_cast %mul3A_480 : i32 to index
        %get3A_488 = tpu.vector_load %arg9[%get3A_486, %get3A_487] {strides = array<i32>} : memref<2x2560xi32, #tpu.memory_space<vmem>>, vector<16xi32>,
        %gather3A_489 = tpu.vector_load_idx %arg8[%get3A_484] : memref<100000xf32, #tpu.memory_space<vmem>>[vector<16xi32>], vector<16xf32>,
        %eq3A_490 = arith.cmpi eq, %get3A_488, %select_n3A : vector<16xi32>
        %select_n3A_491 = arith.select %eq3A_490, %gather3A_489, %broadcast_in_dim3A_6 : vector<16xi1>, vector<16xf32>
        %add3A_492 = arith.addf %add3A_471, %select_n3A_491 : vector<16xf32>
        %eq3A_493 = arith.cmpi eq, %get3A_488, %select_n3A_72 : vector<16xi32>
        %select_n3A_494 = arith.select %eq3A_493, %gather3A_489, %broadcast_in_dim3A_6 : vector<16xi1>, vector<16xf32>
        %add3A_495 = arith.addf %add3A_474, %select_n3A_494 : vector<16xf32>
        %mul3A_496 = arith.constant 16 : i32
        %mul3A_497 = arith.muli %scan3A_179, %mul3A_496 : i32
        %add3A_498 = arith.constant 15 : i32
        %add3A_499 = arith.addi %mul3A_497, %add3A_498 : i32
        %mul3A_500 = arith.constant 16 : i32
        %mul3A_501 = arith.muli %add3A_499, %mul3A_500 : i32
        %get3A_502 = arith.constant 0 : i32
        %get3A_503 = arith.index_cast %get3A_502 : i32 to index
        %get3A_504 = arith.index_cast %mul3A_501 : i32 to index
        %get3A_505 = tpu.vector_load %arg9[%get3A_503, %get3A_504] {strides = array<i32>} : memref<2x2560xi32, #tpu.memory_space<vmem>>, vector<16xi32>,
        %get3A_506 = arith.constant 1 : i32
        %get3A_507 = arith.index_cast %get3A_506 : i32 to index
        %get3A_508 = arith.index_cast %mul3A_501 : i32 to index
        %get3A_509 = tpu.vector_load %arg9[%get3A_507, %get3A_508] {strides = array<i32>} : memref<2x2560xi32, #tpu.memory_space<vmem>>, vector<16xi32>,
        %gather3A_510 = tpu.vector_load_idx %arg8[%get3A_505] : memref<100000xf32, #tpu.memory_space<vmem>>[vector<16xi32>], vector<16xf32>,
        %eq3A_511 = arith.cmpi eq, %get3A_509, %select_n3A : vector<16xi32>
        %select_n3A_512 = arith.select %eq3A_511, %gather3A_510, %broadcast_in_dim3A_6 : vector<16xi1>, vector<16xf32>
        %add3A_513 = arith.addf %add3A_492, %select_n3A_512 : vector<16xf32>
        %eq3A_514 = arith.cmpi eq, %get3A_509, %select_n3A_72 : vector<16xi32>
        %select_n3A_515 = arith.select %eq3A_514, %gather3A_510, %broadcast_in_dim3A_6 : vector<16xi1>, vector<16xf32>
        %add3A_516 = arith.addf %add3A_495, %select_n3A_515 : vector<16xf32>
        scf.yield %add3A_513, %add3A_516 : vector<16xf32>, vector<16xf32>
      }
      %scan3A_78 = arith.constant 10 : i32
      %add3A_79 = arith.constant 4 : i32
      %add3A_80 = arith.addi %add3A_61, %add3A_79 : i32
      %lt3A_81 = arith.constant 80 : i32
      %lt3A_82 = arith.cmpi slt, %add3A_80, %lt3A_81 : i32
      %convert_element_type3A_83 = arith.extui %lt3A_82 : i1 to i32
      %cond3A_84 = arith.constant 0 : i32
      %cond3A_85 = arith.cmpi ne, %convert_element_type3A_83, %cond3A_84 : i32
      scf.if %cond3A_85 {
        %add3A_179 = arith.constant 128 : i32
        %add3A_180 = arith.addi %add3A_64, %add3A_179 : i32
        %min3A_181 = arith.constant 2499 : i32
        %min3A_182 = arith.minsi %add3A_180, %min3A_181 : i32
        %mul3A_183 = arith.constant 2560 : i32
        %mul3A_184 = arith.muli %min3A_182, %mul3A_183 : i32
        %dma_start3A_185 = arith.constant 0 : i32
        %dma_start3A_186 = tpu.memref_slice %arg3[%dma_start3A_185, %mul3A_184] : memref<2x6400000xi32, #tpu.memory_space<hbm>> -> memref<2x2560xi32, #tpu.memory_space<hbm>>
        %dma_start3A_187 = arith.constant 0 : i32
        %dma_start3A_188 = tpu.memref_slice %arg3[%dma_start3A_187, %mul3A_184] : memref<2x6400000xi32, #tpu.memory_space<hbm>> -> memref<2x2560xi32, #tpu.memory_space<hbm>>
        tpu.enqueue_dma source(%dma_start3A_188 : memref<2x2560xi32, #tpu.memory_space<hbm>>) target(%arg9 : memref<2x2560xi32, #tpu.memory_space<vmem>>) target_semaphore(%arg17 : memref<!tpu.dma_semaphore, #tpu.memory_space<semaphore_mem>>)
      } else {
      }
      %mul3A_86 = arith.constant 4 : i32
      %mul3A_87 = arith.muli %mul3A_86, %scan3A_55 : i32
      %add3A_88 = arith.constant 1 : i32
      %add3A_89 = arith.addi %mul3A_87, %add3A_88 : i32
      %mul3A_90 = arith.constant 32 : i32
      %mul3A_91 = arith.muli %mul3A_90, %add3A_89 : i32
      %add3A_92 = arith.addi %add3A, %mul3A_91 : i32
      %lt3A_93 = arith.constant 2500 : i32
      %lt3A_94 = arith.cmpi slt, %add3A_92, %lt3A_93 : i32
      %broadcast_in_dim3A_95 = vector.broadcast %lt3A_94 : i1 to vector<16xi1>
      %dma_wait3A_96 = arith.constant 0 : i32
      %dma_wait3A_97 = arith.constant 0 : i32
      %dma_wait3A_98 = tpu.memref_slice %arg3[%dma_wait3A_96, %dma_wait3A_97] : memref<2x6400000xi32, #tpu.memory_space<hbm>> -> memref<2x2560xi32, #tpu.memory_space<hbm>>
      %dma_wait3A_99 = arith.constant 0 : i32
      %dma_wait3A_100 = arith.constant 0 : i32
      %dma_wait3A_101 = tpu.memref_slice %arg3[%dma_wait3A_99, %dma_wait3A_100] : memref<2x6400000xi32, #tpu.memory_space<hbm>> -> memref<2x2560xi32, #tpu.memory_space<hbm>>
      tpu.wait_dma2 semaphore(%arg18 : memref<!tpu.dma_semaphore, #tpu.memory_space<semaphore_mem>>) src(%dma_wait3A_101 : memref<2x2560xi32, #tpu.memory_space<hbm>>) dst(%arg10 : memref<2x2560xi32, #tpu.memory_space<vmem>>)
      %select_n3A_102 = arith.select %broadcast_in_dim3A_95, %get3A_1, %broadcast_in_dim3A_4 : vector<16xi1>, vector<16xi32>
      %select_n3A_103 = arith.select %broadcast_in_dim3A_95, %get3A_3, %broadcast_in_dim3A_4 : vector<16xi1>, vector<16xi32>
      %scan3A_104 = arith.constant 0 : i32
      %scan3A_105 = arith.constant 10 : i32
      %scan3A_106 = arith.addi %scan3A_104, %scan3A_105 : i32
      %scan3A_107 = arith.constant 1 : i32
      %scan3A_108:2 = scf.for %scan3A_179 = %scan3A_104 to %scan3A_106 step %scan3A_107 iter_args(%scan3A_180 = %scan3A_77#0, %scan3A_181 = %scan3A_77#1) -> (vector<16xf32>, vector<16xf32>)  : i32 {
        %mul3A_182 = arith.constant 16 : i32
        %mul3A_183 = arith.muli %scan3A_179, %mul3A_182 : i32
        %add3A_184 = arith.constant 0 : i32
        %add3A_185 = arith.addi %mul3A_183, %add3A_184 : i32
        %mul3A_186 = arith.constant 16 : i32
        %mul3A_187 = arith.muli %add3A_185, %mul3A_186 : i32
        %get3A_188 = arith.constant 0 : i32
        %get3A_189 = arith.index_cast %get3A_188 : i32 to index
        %get3A_190 = arith.index_cast %mul3A_187 : i32 to index
        %get3A_191 = tpu.vector_load %arg10[%get3A_189, %get3A_190] {strides = array<i32>} : memref<2x2560xi32, #tpu.memory_space<vmem>>, vector<16xi32>,
        %get3A_192 = arith.constant 1 : i32
        %get3A_193 = arith.index_cast %get3A_192 : i32 to index
        %get3A_194 = arith.index_cast %mul3A_187 : i32 to index
        %get3A_195 = tpu.vector_load %arg10[%get3A_193, %get3A_194] {strides = array<i32>} : memref<2x2560xi32, #tpu.memory_space<vmem>>, vector<16xi32>,
        %gather3A = tpu.vector_load_idx %arg8[%get3A_191] : memref<100000xf32, #tpu.memory_space<vmem>>[vector<16xi32>], vector<16xf32>,
        %eq3A_196 = arith.cmpi eq, %get3A_195, %select_n3A_102 : vector<16xi32>
        %select_n3A_197 = arith.select %eq3A_196, %gather3A, %broadcast_in_dim3A_6 : vector<16xi1>, vector<16xf32>
        %add3A_198 = arith.addf %scan3A_180, %select_n3A_197 : vector<16xf32>
        %eq3A_199 = arith.cmpi eq, %get3A_195, %select_n3A_103 : vector<16xi32>
        %select_n3A_200 = arith.select %eq3A_199, %gather3A, %broadcast_in_dim3A_6 : vector<16xi1>, vector<16xf32>
        %add3A_201 = arith.addf %scan3A_181, %select_n3A_200 : vector<16xf32>
        %mul3A_202 = arith.constant 16 : i32
        %mul3A_203 = arith.muli %scan3A_179, %mul3A_202 : i32
        %add3A_204 = arith.constant 1 : i32
        %add3A_205 = arith.addi %mul3A_203, %add3A_204 : i32
        %mul3A_206 = arith.constant 16 : i32
        %mul3A_207 = arith.muli %add3A_205, %mul3A_206 : i32
        %get3A_208 = arith.constant 0 : i32
        %get3A_209 = arith.index_cast %get3A_208 : i32 to index
        %get3A_210 = arith.index_cast %mul3A_207 : i32 to index
        %get3A_211 = tpu.vector_load %arg10[%get3A_209, %get3A_210] {strides = array<i32>} : memref<2x2560xi32, #tpu.memory_space<vmem>>, vector<16xi32>,
        %get3A_212 = arith.constant 1 : i32
        %get3A_213 = arith.index_cast %get3A_212 : i32 to index
        %get3A_214 = arith.index_cast %mul3A_207 : i32 to index
        %get3A_215 = tpu.vector_load %arg10[%get3A_213, %get3A_214] {strides = array<i32>} : memref<2x2560xi32, #tpu.memory_space<vmem>>, vector<16xi32>,
        %gather3A_216 = tpu.vector_load_idx %arg8[%get3A_211] : memref<100000xf32, #tpu.memory_space<vmem>>[vector<16xi32>], vector<16xf32>,
        %eq3A_217 = arith.cmpi eq, %get3A_215, %select_n3A_102 : vector<16xi32>
        %select_n3A_218 = arith.select %eq3A_217, %gather3A_216, %broadcast_in_dim3A_6 : vector<16xi1>, vector<16xf32>
        %add3A_219 = arith.addf %add3A_198, %select_n3A_218 : vector<16xf32>
        %eq3A_220 = arith.cmpi eq, %get3A_215, %select_n3A_103 : vector<16xi32>
        %select_n3A_221 = arith.select %eq3A_220, %gather3A_216, %broadcast_in_dim3A_6 : vector<16xi1>, vector<16xf32>
        %add3A_222 = arith.addf %add3A_201, %select_n3A_221 : vector<16xf32>
        %mul3A_223 = arith.constant 16 : i32
        %mul3A_224 = arith.muli %scan3A_179, %mul3A_223 : i32
        %add3A_225 = arith.constant 2 : i32
        %add3A_226 = arith.addi %mul3A_224, %add3A_225 : i32
        %mul3A_227 = arith.constant 16 : i32
        %mul3A_228 = arith.muli %add3A_226, %mul3A_227 : i32
        %get3A_229 = arith.constant 0 : i32
        %get3A_230 = arith.index_cast %get3A_229 : i32 to index
        %get3A_231 = arith.index_cast %mul3A_228 : i32 to index
        %get3A_232 = tpu.vector_load %arg10[%get3A_230, %get3A_231] {strides = array<i32>} : memref<2x2560xi32, #tpu.memory_space<vmem>>, vector<16xi32>,
        %get3A_233 = arith.constant 1 : i32
        %get3A_234 = arith.index_cast %get3A_233 : i32 to index
        %get3A_235 = arith.index_cast %mul3A_228 : i32 to index
        %get3A_236 = tpu.vector_load %arg10[%get3A_234, %get3A_235] {strides = array<i32>} : memref<2x2560xi32, #tpu.memory_space<vmem>>, vector<16xi32>,
        %gather3A_237 = tpu.vector_load_idx %arg8[%get3A_232] : memref<100000xf32, #tpu.memory_space<vmem>>[vector<16xi32>], vector<16xf32>,
        %eq3A_238 = arith.cmpi eq, %get3A_236, %select_n3A_102 : vector<16xi32>
        %select_n3A_239 = arith.select %eq3A_238, %gather3A_237, %broadcast_in_dim3A_6 : vector<16xi1>, vector<16xf32>
        %add3A_240 = arith.addf %add3A_219, %select_n3A_239 : vector<16xf32>
        %eq3A_241 = arith.cmpi eq, %get3A_236, %select_n3A_103 : vector<16xi32>
        %select_n3A_242 = arith.select %eq3A_241, %gather3A_237, %broadcast_in_dim3A_6 : vector<16xi1>, vector<16xf32>
        %add3A_243 = arith.addf %add3A_222, %select_n3A_242 : vector<16xf32>
        %mul3A_244 = arith.constant 16 : i32
        %mul3A_245 = arith.muli %scan3A_179, %mul3A_244 : i32
        %add3A_246 = arith.constant 3 : i32
        %add3A_247 = arith.addi %mul3A_245, %add3A_246 : i32
        %mul3A_248 = arith.constant 16 : i32
        %mul3A_249 = arith.muli %add3A_247, %mul3A_248 : i32
        %get3A_250 = arith.constant 0 : i32
        %get3A_251 = arith.index_cast %get3A_250 : i32 to index
        %get3A_252 = arith.index_cast %mul3A_249 : i32 to index
        %get3A_253 = tpu.vector_load %arg10[%get3A_251, %get3A_252] {strides = array<i32>} : memref<2x2560xi32, #tpu.memory_space<vmem>>, vector<16xi32>,
        %get3A_254 = arith.constant 1 : i32
        %get3A_255 = arith.index_cast %get3A_254 : i32 to index
        %get3A_256 = arith.index_cast %mul3A_249 : i32 to index
        %get3A_257 = tpu.vector_load %arg10[%get3A_255, %get3A_256] {strides = array<i32>} : memref<2x2560xi32, #tpu.memory_space<vmem>>, vector<16xi32>,
        %gather3A_258 = tpu.vector_load_idx %arg8[%get3A_253] : memref<100000xf32, #tpu.memory_space<vmem>>[vector<16xi32>], vector<16xf32>,
        %eq3A_259 = arith.cmpi eq, %get3A_257, %select_n3A_102 : vector<16xi32>
        %select_n3A_260 = arith.select %eq3A_259, %gather3A_258, %broadcast_in_dim3A_6 : vector<16xi1>, vector<16xf32>
        %add3A_261 = arith.addf %add3A_240, %select_n3A_260 : vector<16xf32>
        %eq3A_262 = arith.cmpi eq, %get3A_257, %select_n3A_103 : vector<16xi32>
        %select_n3A_263 = arith.select %eq3A_262, %gather3A_258, %broadcast_in_dim3A_6 : vector<16xi1>, vector<16xf32>
        %add3A_264 = arith.addf %add3A_243, %select_n3A_263 : vector<16xf32>
        %mul3A_265 = arith.constant 16 : i32
        %mul3A_266 = arith.muli %scan3A_179, %mul3A_265 : i32
        %add3A_267 = arith.constant 4 : i32
        %add3A_268 = arith.addi %mul3A_266, %add3A_267 : i32
        %mul3A_269 = arith.constant 16 : i32
        %mul3A_270 = arith.muli %add3A_268, %mul3A_269 : i32
        %get3A_271 = arith.constant 0 : i32
        %get3A_272 = arith.index_cast %get3A_271 : i32 to index
        %get3A_273 = arith.index_cast %mul3A_270 : i32 to index
        %get3A_274 = tpu.vector_load %arg10[%get3A_272, %get3A_273] {strides = array<i32>} : memref<2x2560xi32, #tpu.memory_space<vmem>>, vector<16xi32>,
        %get3A_275 = arith.constant 1 : i32
        %get3A_276 = arith.index_cast %get3A_275 : i32 to index
        %get3A_277 = arith.index_cast %mul3A_270 : i32 to index
        %get3A_278 = tpu.vector_load %arg10[%get3A_276, %get3A_277] {strides = array<i32>} : memref<2x2560xi32, #tpu.memory_space<vmem>>, vector<16xi32>,
        %gather3A_279 = tpu.vector_load_idx %arg8[%get3A_274] : memref<100000xf32, #tpu.memory_space<vmem>>[vector<16xi32>], vector<16xf32>,
        %eq3A_280 = arith.cmpi eq, %get3A_278, %select_n3A_102 : vector<16xi32>
        %select_n3A_281 = arith.select %eq3A_280, %gather3A_279, %broadcast_in_dim3A_6 : vector<16xi1>, vector<16xf32>
        %add3A_282 = arith.addf %add3A_261, %select_n3A_281 : vector<16xf32>
        %eq3A_283 = arith.cmpi eq, %get3A_278, %select_n3A_103 : vector<16xi32>
        %select_n3A_284 = arith.select %eq3A_283, %gather3A_279, %broadcast_in_dim3A_6 : vector<16xi1>, vector<16xf32>
        %add3A_285 = arith.addf %add3A_264, %select_n3A_284 : vector<16xf32>
        %mul3A_286 = arith.constant 16 : i32
        %mul3A_287 = arith.muli %scan3A_179, %mul3A_286 : i32
        %add3A_288 = arith.constant 5 : i32
        %add3A_289 = arith.addi %mul3A_287, %add3A_288 : i32
        %mul3A_290 = arith.constant 16 : i32
        %mul3A_291 = arith.muli %add3A_289, %mul3A_290 : i32
        %get3A_292 = arith.constant 0 : i32
        %get3A_293 = arith.index_cast %get3A_292 : i32 to index
        %get3A_294 = arith.index_cast %mul3A_291 : i32 to index
        %get3A_295 = tpu.vector_load %arg10[%get3A_293, %get3A_294] {strides = array<i32>} : memref<2x2560xi32, #tpu.memory_space<vmem>>, vector<16xi32>,
        %get3A_296 = arith.constant 1 : i32
        %get3A_297 = arith.index_cast %get3A_296 : i32 to index
        %get3A_298 = arith.index_cast %mul3A_291 : i32 to index
        %get3A_299 = tpu.vector_load %arg10[%get3A_297, %get3A_298] {strides = array<i32>} : memref<2x2560xi32, #tpu.memory_space<vmem>>, vector<16xi32>,
        %gather3A_300 = tpu.vector_load_idx %arg8[%get3A_295] : memref<100000xf32, #tpu.memory_space<vmem>>[vector<16xi32>], vector<16xf32>,
        %eq3A_301 = arith.cmpi eq, %get3A_299, %select_n3A_102 : vector<16xi32>
        %select_n3A_302 = arith.select %eq3A_301, %gather3A_300, %broadcast_in_dim3A_6 : vector<16xi1>, vector<16xf32>
        %add3A_303 = arith.addf %add3A_282, %select_n3A_302 : vector<16xf32>
        %eq3A_304 = arith.cmpi eq, %get3A_299, %select_n3A_103 : vector<16xi32>
        %select_n3A_305 = arith.select %eq3A_304, %gather3A_300, %broadcast_in_dim3A_6 : vector<16xi1>, vector<16xf32>
        %add3A_306 = arith.addf %add3A_285, %select_n3A_305 : vector<16xf32>
        %mul3A_307 = arith.constant 16 : i32
        %mul3A_308 = arith.muli %scan3A_179, %mul3A_307 : i32
        %add3A_309 = arith.constant 6 : i32
        %add3A_310 = arith.addi %mul3A_308, %add3A_309 : i32
        %mul3A_311 = arith.constant 16 : i32
        %mul3A_312 = arith.muli %add3A_310, %mul3A_311 : i32
        %get3A_313 = arith.constant 0 : i32
        %get3A_314 = arith.index_cast %get3A_313 : i32 to index
        %get3A_315 = arith.index_cast %mul3A_312 : i32 to index
        %get3A_316 = tpu.vector_load %arg10[%get3A_314, %get3A_315] {strides = array<i32>} : memref<2x2560xi32, #tpu.memory_space<vmem>>, vector<16xi32>,
        %get3A_317 = arith.constant 1 : i32
        %get3A_318 = arith.index_cast %get3A_317 : i32 to index
        %get3A_319 = arith.index_cast %mul3A_312 : i32 to index
        %get3A_320 = tpu.vector_load %arg10[%get3A_318, %get3A_319] {strides = array<i32>} : memref<2x2560xi32, #tpu.memory_space<vmem>>, vector<16xi32>,
        %gather3A_321 = tpu.vector_load_idx %arg8[%get3A_316] : memref<100000xf32, #tpu.memory_space<vmem>>[vector<16xi32>], vector<16xf32>,
        %eq3A_322 = arith.cmpi eq, %get3A_320, %select_n3A_102 : vector<16xi32>
        %select_n3A_323 = arith.select %eq3A_322, %gather3A_321, %broadcast_in_dim3A_6 : vector<16xi1>, vector<16xf32>
        %add3A_324 = arith.addf %add3A_303, %select_n3A_323 : vector<16xf32>
        %eq3A_325 = arith.cmpi eq, %get3A_320, %select_n3A_103 : vector<16xi32>
        %select_n3A_326 = arith.select %eq3A_325, %gather3A_321, %broadcast_in_dim3A_6 : vector<16xi1>, vector<16xf32>
        %add3A_327 = arith.addf %add3A_306, %select_n3A_326 : vector<16xf32>
        %mul3A_328 = arith.constant 16 : i32
        %mul3A_329 = arith.muli %scan3A_179, %mul3A_328 : i32
        %add3A_330 = arith.constant 7 : i32
        %add3A_331 = arith.addi %mul3A_329, %add3A_330 : i32
        %mul3A_332 = arith.constant 16 : i32
        %mul3A_333 = arith.muli %add3A_331, %mul3A_332 : i32
        %get3A_334 = arith.constant 0 : i32
        %get3A_335 = arith.index_cast %get3A_334 : i32 to index
        %get3A_336 = arith.index_cast %mul3A_333 : i32 to index
        %get3A_337 = tpu.vector_load %arg10[%get3A_335, %get3A_336] {strides = array<i32>} : memref<2x2560xi32, #tpu.memory_space<vmem>>, vector<16xi32>,
        %get3A_338 = arith.constant 1 : i32
        %get3A_339 = arith.index_cast %get3A_338 : i32 to index
        %get3A_340 = arith.index_cast %mul3A_333 : i32 to index
        %get3A_341 = tpu.vector_load %arg10[%get3A_339, %get3A_340] {strides = array<i32>} : memref<2x2560xi32, #tpu.memory_space<vmem>>, vector<16xi32>,
        %gather3A_342 = tpu.vector_load_idx %arg8[%get3A_337] : memref<100000xf32, #tpu.memory_space<vmem>>[vector<16xi32>], vector<16xf32>,
        %eq3A_343 = arith.cmpi eq, %get3A_341, %select_n3A_102 : vector<16xi32>
        %select_n3A_344 = arith.select %eq3A_343, %gather3A_342, %broadcast_in_dim3A_6 : vector<16xi1>, vector<16xf32>
        %add3A_345 = arith.addf %add3A_324, %select_n3A_344 : vector<16xf32>
        %eq3A_346 = arith.cmpi eq, %get3A_341, %select_n3A_103 : vector<16xi32>
        %select_n3A_347 = arith.select %eq3A_346, %gather3A_342, %broadcast_in_dim3A_6 : vector<16xi1>, vector<16xf32>
        %add3A_348 = arith.addf %add3A_327, %select_n3A_347 : vector<16xf32>
        %mul3A_349 = arith.constant 16 : i32
        %mul3A_350 = arith.muli %scan3A_179, %mul3A_349 : i32
        %add3A_351 = arith.constant 8 : i32
        %add3A_352 = arith.addi %mul3A_350, %add3A_351 : i32
        %mul3A_353 = arith.constant 16 : i32
        %mul3A_354 = arith.muli %add3A_352, %mul3A_353 : i32
        %get3A_355 = arith.constant 0 : i32
        %get3A_356 = arith.index_cast %get3A_355 : i32 to index
        %get3A_357 = arith.index_cast %mul3A_354 : i32 to index
        %get3A_358 = tpu.vector_load %arg10[%get3A_356, %get3A_357] {strides = array<i32>} : memref<2x2560xi32, #tpu.memory_space<vmem>>, vector<16xi32>,
        %get3A_359 = arith.constant 1 : i32
        %get3A_360 = arith.index_cast %get3A_359 : i32 to index
        %get3A_361 = arith.index_cast %mul3A_354 : i32 to index
        %get3A_362 = tpu.vector_load %arg10[%get3A_360, %get3A_361] {strides = array<i32>} : memref<2x2560xi32, #tpu.memory_space<vmem>>, vector<16xi32>,
        %gather3A_363 = tpu.vector_load_idx %arg8[%get3A_358] : memref<100000xf32, #tpu.memory_space<vmem>>[vector<16xi32>], vector<16xf32>,
        %eq3A_364 = arith.cmpi eq, %get3A_362, %select_n3A_102 : vector<16xi32>
        %select_n3A_365 = arith.select %eq3A_364, %gather3A_363, %broadcast_in_dim3A_6 : vector<16xi1>, vector<16xf32>
        %add3A_366 = arith.addf %add3A_345, %select_n3A_365 : vector<16xf32>
        %eq3A_367 = arith.cmpi eq, %get3A_362, %select_n3A_103 : vector<16xi32>
        %select_n3A_368 = arith.select %eq3A_367, %gather3A_363, %broadcast_in_dim3A_6 : vector<16xi1>, vector<16xf32>
        %add3A_369 = arith.addf %add3A_348, %select_n3A_368 : vector<16xf32>
        %mul3A_370 = arith.constant 16 : i32
        %mul3A_371 = arith.muli %scan3A_179, %mul3A_370 : i32
        %add3A_372 = arith.constant 9 : i32
        %add3A_373 = arith.addi %mul3A_371, %add3A_372 : i32
        %mul3A_374 = arith.constant 16 : i32
        %mul3A_375 = arith.muli %add3A_373, %mul3A_374 : i32
        %get3A_376 = arith.constant 0 : i32
        %get3A_377 = arith.index_cast %get3A_376 : i32 to index
        %get3A_378 = arith.index_cast %mul3A_375 : i32 to index
        %get3A_379 = tpu.vector_load %arg10[%get3A_377, %get3A_378] {strides = array<i32>} : memref<2x2560xi32, #tpu.memory_space<vmem>>, vector<16xi32>,
        %get3A_380 = arith.constant 1 : i32
        %get3A_381 = arith.index_cast %get3A_380 : i32 to index
        %get3A_382 = arith.index_cast %mul3A_375 : i32 to index
        %get3A_383 = tpu.vector_load %arg10[%get3A_381, %get3A_382] {strides = array<i32>} : memref<2x2560xi32, #tpu.memory_space<vmem>>, vector<16xi32>,
        %gather3A_384 = tpu.vector_load_idx %arg8[%get3A_379] : memref<100000xf32, #tpu.memory_space<vmem>>[vector<16xi32>], vector<16xf32>,
        %eq3A_385 = arith.cmpi eq, %get3A_383, %select_n3A_102 : vector<16xi32>
        %select_n3A_386 = arith.select %eq3A_385, %gather3A_384, %broadcast_in_dim3A_6 : vector<16xi1>, vector<16xf32>
        %add3A_387 = arith.addf %add3A_366, %select_n3A_386 : vector<16xf32>
        %eq3A_388 = arith.cmpi eq, %get3A_383, %select_n3A_103 : vector<16xi32>
        %select_n3A_389 = arith.select %eq3A_388, %gather3A_384, %broadcast_in_dim3A_6 : vector<16xi1>, vector<16xf32>
        %add3A_390 = arith.addf %add3A_369, %select_n3A_389 : vector<16xf32>
        %mul3A_391 = arith.constant 16 : i32
        %mul3A_392 = arith.muli %scan3A_179, %mul3A_391 : i32
        %add3A_393 = arith.constant 10 : i32
        %add3A_394 = arith.addi %mul3A_392, %add3A_393 : i32
        %mul3A_395 = arith.constant 16 : i32
        %mul3A_396 = arith.muli %add3A_394, %mul3A_395 : i32
        %get3A_397 = arith.constant 0 : i32
        %get3A_398 = arith.index_cast %get3A_397 : i32 to index
        %get3A_399 = arith.index_cast %mul3A_396 : i32 to index
        %get3A_400 = tpu.vector_load %arg10[%get3A_398, %get3A_399] {strides = array<i32>} : memref<2x2560xi32, #tpu.memory_space<vmem>>, vector<16xi32>,
        %get3A_401 = arith.constant 1 : i32
        %get3A_402 = arith.index_cast %get3A_401 : i32 to index
        %get3A_403 = arith.index_cast %mul3A_396 : i32 to index
        %get3A_404 = tpu.vector_load %arg10[%get3A_402, %get3A_403] {strides = array<i32>} : memref<2x2560xi32, #tpu.memory_space<vmem>>, vector<16xi32>,
        %gather3A_405 = tpu.vector_load_idx %arg8[%get3A_400] : memref<100000xf32, #tpu.memory_space<vmem>>[vector<16xi32>], vector<16xf32>,
        %eq3A_406 = arith.cmpi eq, %get3A_404, %select_n3A_102 : vector<16xi32>
        %select_n3A_407 = arith.select %eq3A_406, %gather3A_405, %broadcast_in_dim3A_6 : vector<16xi1>, vector<16xf32>
        %add3A_408 = arith.addf %add3A_387, %select_n3A_407 : vector<16xf32>
        %eq3A_409 = arith.cmpi eq, %get3A_404, %select_n3A_103 : vector<16xi32>
        %select_n3A_410 = arith.select %eq3A_409, %gather3A_405, %broadcast_in_dim3A_6 : vector<16xi1>, vector<16xf32>
        %add3A_411 = arith.addf %add3A_390, %select_n3A_410 : vector<16xf32>
        %mul3A_412 = arith.constant 16 : i32
        %mul3A_413 = arith.muli %scan3A_179, %mul3A_412 : i32
        %add3A_414 = arith.constant 11 : i32
        %add3A_415 = arith.addi %mul3A_413, %add3A_414 : i32
        %mul3A_416 = arith.constant 16 : i32
        %mul3A_417 = arith.muli %add3A_415, %mul3A_416 : i32
        %get3A_418 = arith.constant 0 : i32
        %get3A_419 = arith.index_cast %get3A_418 : i32 to index
        %get3A_420 = arith.index_cast %mul3A_417 : i32 to index
        %get3A_421 = tpu.vector_load %arg10[%get3A_419, %get3A_420] {strides = array<i32>} : memref<2x2560xi32, #tpu.memory_space<vmem>>, vector<16xi32>,
        %get3A_422 = arith.constant 1 : i32
        %get3A_423 = arith.index_cast %get3A_422 : i32 to index
        %get3A_424 = arith.index_cast %mul3A_417 : i32 to index
        %get3A_425 = tpu.vector_load %arg10[%get3A_423, %get3A_424] {strides = array<i32>} : memref<2x2560xi32, #tpu.memory_space<vmem>>, vector<16xi32>,
        %gather3A_426 = tpu.vector_load_idx %arg8[%get3A_421] : memref<100000xf32, #tpu.memory_space<vmem>>[vector<16xi32>], vector<16xf32>,
        %eq3A_427 = arith.cmpi eq, %get3A_425, %select_n3A_102 : vector<16xi32>
        %select_n3A_428 = arith.select %eq3A_427, %gather3A_426, %broadcast_in_dim3A_6 : vector<16xi1>, vector<16xf32>
        %add3A_429 = arith.addf %add3A_408, %select_n3A_428 : vector<16xf32>
        %eq3A_430 = arith.cmpi eq, %get3A_425, %select_n3A_103 : vector<16xi32>
        %select_n3A_431 = arith.select %eq3A_430, %gather3A_426, %broadcast_in_dim3A_6 : vector<16xi1>, vector<16xf32>
        %add3A_432 = arith.addf %add3A_411, %select_n3A_431 : vector<16xf32>
        %mul3A_433 = arith.constant 16 : i32
        %mul3A_434 = arith.muli %scan3A_179, %mul3A_433 : i32
        %add3A_435 = arith.constant 12 : i32
        %add3A_436 = arith.addi %mul3A_434, %add3A_435 : i32
        %mul3A_437 = arith.constant 16 : i32
        %mul3A_438 = arith.muli %add3A_436, %mul3A_437 : i32
        %get3A_439 = arith.constant 0 : i32
        %get3A_440 = arith.index_cast %get3A_439 : i32 to index
        %get3A_441 = arith.index_cast %mul3A_438 : i32 to index
        %get3A_442 = tpu.vector_load %arg10[%get3A_440, %get3A_441] {strides = array<i32>} : memref<2x2560xi32, #tpu.memory_space<vmem>>, vector<16xi32>,
        %get3A_443 = arith.constant 1 : i32
        %get3A_444 = arith.index_cast %get3A_443 : i32 to index
        %get3A_445 = arith.index_cast %mul3A_438 : i32 to index
        %get3A_446 = tpu.vector_load %arg10[%get3A_444, %get3A_445] {strides = array<i32>} : memref<2x2560xi32, #tpu.memory_space<vmem>>, vector<16xi32>,
        %gather3A_447 = tpu.vector_load_idx %arg8[%get3A_442] : memref<100000xf32, #tpu.memory_space<vmem>>[vector<16xi32>], vector<16xf32>,
        %eq3A_448 = arith.cmpi eq, %get3A_446, %select_n3A_102 : vector<16xi32>
        %select_n3A_449 = arith.select %eq3A_448, %gather3A_447, %broadcast_in_dim3A_6 : vector<16xi1>, vector<16xf32>
        %add3A_450 = arith.addf %add3A_429, %select_n3A_449 : vector<16xf32>
        %eq3A_451 = arith.cmpi eq, %get3A_446, %select_n3A_103 : vector<16xi32>
        %select_n3A_452 = arith.select %eq3A_451, %gather3A_447, %broadcast_in_dim3A_6 : vector<16xi1>, vector<16xf32>
        %add3A_453 = arith.addf %add3A_432, %select_n3A_452 : vector<16xf32>
        %mul3A_454 = arith.constant 16 : i32
        %mul3A_455 = arith.muli %scan3A_179, %mul3A_454 : i32
        %add3A_456 = arith.constant 13 : i32
        %add3A_457 = arith.addi %mul3A_455, %add3A_456 : i32
        %mul3A_458 = arith.constant 16 : i32
        %mul3A_459 = arith.muli %add3A_457, %mul3A_458 : i32
        %get3A_460 = arith.constant 0 : i32
        %get3A_461 = arith.index_cast %get3A_460 : i32 to index
        %get3A_462 = arith.index_cast %mul3A_459 : i32 to index
        %get3A_463 = tpu.vector_load %arg10[%get3A_461, %get3A_462] {strides = array<i32>} : memref<2x2560xi32, #tpu.memory_space<vmem>>, vector<16xi32>,
        %get3A_464 = arith.constant 1 : i32
        %get3A_465 = arith.index_cast %get3A_464 : i32 to index
        %get3A_466 = arith.index_cast %mul3A_459 : i32 to index
        %get3A_467 = tpu.vector_load %arg10[%get3A_465, %get3A_466] {strides = array<i32>} : memref<2x2560xi32, #tpu.memory_space<vmem>>, vector<16xi32>,
        %gather3A_468 = tpu.vector_load_idx %arg8[%get3A_463] : memref<100000xf32, #tpu.memory_space<vmem>>[vector<16xi32>], vector<16xf32>,
        %eq3A_469 = arith.cmpi eq, %get3A_467, %select_n3A_102 : vector<16xi32>
        %select_n3A_470 = arith.select %eq3A_469, %gather3A_468, %broadcast_in_dim3A_6 : vector<16xi1>, vector<16xf32>
        %add3A_471 = arith.addf %add3A_450, %select_n3A_470 : vector<16xf32>
        %eq3A_472 = arith.cmpi eq, %get3A_467, %select_n3A_103 : vector<16xi32>
        %select_n3A_473 = arith.select %eq3A_472, %gather3A_468, %broadcast_in_dim3A_6 : vector<16xi1>, vector<16xf32>
        %add3A_474 = arith.addf %add3A_453, %select_n3A_473 : vector<16xf32>
        %mul3A_475 = arith.constant 16 : i32
        %mul3A_476 = arith.muli %scan3A_179, %mul3A_475 : i32
        %add3A_477 = arith.constant 14 : i32
        %add3A_478 = arith.addi %mul3A_476, %add3A_477 : i32
        %mul3A_479 = arith.constant 16 : i32
        %mul3A_480 = arith.muli %add3A_478, %mul3A_479 : i32
        %get3A_481 = arith.constant 0 : i32
        %get3A_482 = arith.index_cast %get3A_481 : i32 to index
        %get3A_483 = arith.index_cast %mul3A_480 : i32 to index
        %get3A_484 = tpu.vector_load %arg10[%get3A_482, %get3A_483] {strides = array<i32>} : memref<2x2560xi32, #tpu.memory_space<vmem>>, vector<16xi32>,
        %get3A_485 = arith.constant 1 : i32
        %get3A_486 = arith.index_cast %get3A_485 : i32 to index
        %get3A_487 = arith.index_cast %mul3A_480 : i32 to index
        %get3A_488 = tpu.vector_load %arg10[%get3A_486, %get3A_487] {strides = array<i32>} : memref<2x2560xi32, #tpu.memory_space<vmem>>, vector<16xi32>,
        %gather3A_489 = tpu.vector_load_idx %arg8[%get3A_484] : memref<100000xf32, #tpu.memory_space<vmem>>[vector<16xi32>], vector<16xf32>,
        %eq3A_490 = arith.cmpi eq, %get3A_488, %select_n3A_102 : vector<16xi32>
        %select_n3A_491 = arith.select %eq3A_490, %gather3A_489, %broadcast_in_dim3A_6 : vector<16xi1>, vector<16xf32>
        %add3A_492 = arith.addf %add3A_471, %select_n3A_491 : vector<16xf32>
        %eq3A_493 = arith.cmpi eq, %get3A_488, %select_n3A_103 : vector<16xi32>
        %select_n3A_494 = arith.select %eq3A_493, %gather3A_489, %broadcast_in_dim3A_6 : vector<16xi1>, vector<16xf32>
        %add3A_495 = arith.addf %add3A_474, %select_n3A_494 : vector<16xf32>
        %mul3A_496 = arith.constant 16 : i32
        %mul3A_497 = arith.muli %scan3A_179, %mul3A_496 : i32
        %add3A_498 = arith.constant 15 : i32
        %add3A_499 = arith.addi %mul3A_497, %add3A_498 : i32
        %mul3A_500 = arith.constant 16 : i32
        %mul3A_501 = arith.muli %add3A_499, %mul3A_500 : i32
        %get3A_502 = arith.constant 0 : i32
        %get3A_503 = arith.index_cast %get3A_502 : i32 to index
        %get3A_504 = arith.index_cast %mul3A_501 : i32 to index
        %get3A_505 = tpu.vector_load %arg10[%get3A_503, %get3A_504] {strides = array<i32>} : memref<2x2560xi32, #tpu.memory_space<vmem>>, vector<16xi32>,
        %get3A_506 = arith.constant 1 : i32
        %get3A_507 = arith.index_cast %get3A_506 : i32 to index
        %get3A_508 = arith.index_cast %mul3A_501 : i32 to index
        %get3A_509 = tpu.vector_load %arg10[%get3A_507, %get3A_508] {strides = array<i32>} : memref<2x2560xi32, #tpu.memory_space<vmem>>, vector<16xi32>,
        %gather3A_510 = tpu.vector_load_idx %arg8[%get3A_505] : memref<100000xf32, #tpu.memory_space<vmem>>[vector<16xi32>], vector<16xf32>,
        %eq3A_511 = arith.cmpi eq, %get3A_509, %select_n3A_102 : vector<16xi32>
        %select_n3A_512 = arith.select %eq3A_511, %gather3A_510, %broadcast_in_dim3A_6 : vector<16xi1>, vector<16xf32>
        %add3A_513 = arith.addf %add3A_492, %select_n3A_512 : vector<16xf32>
        %eq3A_514 = arith.cmpi eq, %get3A_509, %select_n3A_103 : vector<16xi32>
        %select_n3A_515 = arith.select %eq3A_514, %gather3A_510, %broadcast_in_dim3A_6 : vector<16xi1>, vector<16xf32>
        %add3A_516 = arith.addf %add3A_495, %select_n3A_515 : vector<16xf32>
        scf.yield %add3A_513, %add3A_516 : vector<16xf32>, vector<16xf32>
      }
      %scan3A_109 = arith.constant 10 : i32
      %add3A_110 = arith.constant 4 : i32
      %add3A_111 = arith.addi %add3A_89, %add3A_110 : i32
      %lt3A_112 = arith.constant 80 : i32
      %lt3A_113 = arith.cmpi slt, %add3A_111, %lt3A_112 : i32
      %convert_element_type3A_114 = arith.extui %lt3A_113 : i1 to i32
      %cond3A_115 = arith.constant 0 : i32
      %cond3A_116 = arith.cmpi ne, %convert_element_type3A_114, %cond3A_115 : i32
      scf.if %cond3A_116 {
        %add3A_179 = arith.constant 128 : i32
        %add3A_180 = arith.addi %add3A_92, %add3A_179 : i32
        %min3A_181 = arith.constant 2499 : i32
        %min3A_182 = arith.minsi %add3A_180, %min3A_181 : i32
        %mul3A_183 = arith.constant 2560 : i32
        %mul3A_184 = arith.muli %min3A_182, %mul3A_183 : i32
        %dma_start3A_185 = arith.constant 0 : i32
        %dma_start3A_186 = tpu.memref_slice %arg3[%dma_start3A_185, %mul3A_184] : memref<2x6400000xi32, #tpu.memory_space<hbm>> -> memref<2x2560xi32, #tpu.memory_space<hbm>>
        %dma_start3A_187 = arith.constant 0 : i32
        %dma_start3A_188 = tpu.memref_slice %arg3[%dma_start3A_187, %mul3A_184] : memref<2x6400000xi32, #tpu.memory_space<hbm>> -> memref<2x2560xi32, #tpu.memory_space<hbm>>
        tpu.enqueue_dma source(%dma_start3A_188 : memref<2x2560xi32, #tpu.memory_space<hbm>>) target(%arg10 : memref<2x2560xi32, #tpu.memory_space<vmem>>) target_semaphore(%arg18 : memref<!tpu.dma_semaphore, #tpu.memory_space<semaphore_mem>>)
      } else {
      }
      %mul3A_117 = arith.constant 4 : i32
      %mul3A_118 = arith.muli %mul3A_117, %scan3A_55 : i32
      %add3A_119 = arith.constant 2 : i32
      %add3A_120 = arith.addi %mul3A_118, %add3A_119 : i32
      %mul3A_121 = arith.constant 32 : i32
      %mul3A_122 = arith.muli %mul3A_121, %add3A_120 : i32
      %add3A_123 = arith.addi %add3A, %mul3A_122 : i32
      %lt3A_124 = arith.constant 2500 : i32
      %lt3A_125 = arith.cmpi slt, %add3A_123, %lt3A_124 : i32
      %broadcast_in_dim3A_126 = vector.broadcast %lt3A_125 : i1 to vector<16xi1>
      %dma_wait3A_127 = arith.constant 0 : i32
      %dma_wait3A_128 = arith.constant 0 : i32
      %dma_wait3A_129 = tpu.memref_slice %arg3[%dma_wait3A_127, %dma_wait3A_128] : memref<2x6400000xi32, #tpu.memory_space<hbm>> -> memref<2x2560xi32, #tpu.memory_space<hbm>>
      %dma_wait3A_130 = arith.constant 0 : i32
      %dma_wait3A_131 = arith.constant 0 : i32
      %dma_wait3A_132 = tpu.memref_slice %arg3[%dma_wait3A_130, %dma_wait3A_131] : memref<2x6400000xi32, #tpu.memory_space<hbm>> -> memref<2x2560xi32, #tpu.memory_space<hbm>>
      tpu.wait_dma2 semaphore(%arg19 : memref<!tpu.dma_semaphore, #tpu.memory_space<semaphore_mem>>) src(%dma_wait3A_132 : memref<2x2560xi32, #tpu.memory_space<hbm>>) dst(%arg11 : memref<2x2560xi32, #tpu.memory_space<vmem>>)
      %select_n3A_133 = arith.select %broadcast_in_dim3A_126, %get3A_1, %broadcast_in_dim3A_4 : vector<16xi1>, vector<16xi32>
      %select_n3A_134 = arith.select %broadcast_in_dim3A_126, %get3A_3, %broadcast_in_dim3A_4 : vector<16xi1>, vector<16xi32>
      %scan3A_135 = arith.constant 0 : i32
      %scan3A_136 = arith.constant 10 : i32
      %scan3A_137 = arith.addi %scan3A_135, %scan3A_136 : i32
      %scan3A_138 = arith.constant 1 : i32
      %scan3A_139:2 = scf.for %scan3A_179 = %scan3A_135 to %scan3A_137 step %scan3A_138 iter_args(%scan3A_180 = %scan3A_108#0, %scan3A_181 = %scan3A_108#1) -> (vector<16xf32>, vector<16xf32>)  : i32 {
        %mul3A_182 = arith.constant 16 : i32
        %mul3A_183 = arith.muli %scan3A_179, %mul3A_182 : i32
        %add3A_184 = arith.constant 0 : i32
        %add3A_185 = arith.addi %mul3A_183, %add3A_184 : i32
        %mul3A_186 = arith.constant 16 : i32
        %mul3A_187 = arith.muli %add3A_185, %mul3A_186 : i32
        %get3A_188 = arith.constant 0 : i32
        %get3A_189 = arith.index_cast %get3A_188 : i32 to index
        %get3A_190 = arith.index_cast %mul3A_187 : i32 to index
        %get3A_191 = tpu.vector_load %arg11[%get3A_189, %get3A_190] {strides = array<i32>} : memref<2x2560xi32, #tpu.memory_space<vmem>>, vector<16xi32>,
        %get3A_192 = arith.constant 1 : i32
        %get3A_193 = arith.index_cast %get3A_192 : i32 to index
        %get3A_194 = arith.index_cast %mul3A_187 : i32 to index
        %get3A_195 = tpu.vector_load %arg11[%get3A_193, %get3A_194] {strides = array<i32>} : memref<2x2560xi32, #tpu.memory_space<vmem>>, vector<16xi32>,
        %gather3A = tpu.vector_load_idx %arg8[%get3A_191] : memref<100000xf32, #tpu.memory_space<vmem>>[vector<16xi32>], vector<16xf32>,
        %eq3A_196 = arith.cmpi eq, %get3A_195, %select_n3A_133 : vector<16xi32>
        %select_n3A_197 = arith.select %eq3A_196, %gather3A, %broadcast_in_dim3A_6 : vector<16xi1>, vector<16xf32>
        %add3A_198 = arith.addf %scan3A_180, %select_n3A_197 : vector<16xf32>
        %eq3A_199 = arith.cmpi eq, %get3A_195, %select_n3A_134 : vector<16xi32>
        %select_n3A_200 = arith.select %eq3A_199, %gather3A, %broadcast_in_dim3A_6 : vector<16xi1>, vector<16xf32>
        %add3A_201 = arith.addf %scan3A_181, %select_n3A_200 : vector<16xf32>
        %mul3A_202 = arith.constant 16 : i32
        %mul3A_203 = arith.muli %scan3A_179, %mul3A_202 : i32
        %add3A_204 = arith.constant 1 : i32
        %add3A_205 = arith.addi %mul3A_203, %add3A_204 : i32
        %mul3A_206 = arith.constant 16 : i32
        %mul3A_207 = arith.muli %add3A_205, %mul3A_206 : i32
        %get3A_208 = arith.constant 0 : i32
        %get3A_209 = arith.index_cast %get3A_208 : i32 to index
        %get3A_210 = arith.index_cast %mul3A_207 : i32 to index
        %get3A_211 = tpu.vector_load %arg11[%get3A_209, %get3A_210] {strides = array<i32>} : memref<2x2560xi32, #tpu.memory_space<vmem>>, vector<16xi32>,
        %get3A_212 = arith.constant 1 : i32
        %get3A_213 = arith.index_cast %get3A_212 : i32 to index
        %get3A_214 = arith.index_cast %mul3A_207 : i32 to index
        %get3A_215 = tpu.vector_load %arg11[%get3A_213, %get3A_214] {strides = array<i32>} : memref<2x2560xi32, #tpu.memory_space<vmem>>, vector<16xi32>,
        %gather3A_216 = tpu.vector_load_idx %arg8[%get3A_211] : memref<100000xf32, #tpu.memory_space<vmem>>[vector<16xi32>], vector<16xf32>,
        %eq3A_217 = arith.cmpi eq, %get3A_215, %select_n3A_133 : vector<16xi32>
        %select_n3A_218 = arith.select %eq3A_217, %gather3A_216, %broadcast_in_dim3A_6 : vector<16xi1>, vector<16xf32>
        %add3A_219 = arith.addf %add3A_198, %select_n3A_218 : vector<16xf32>
        %eq3A_220 = arith.cmpi eq, %get3A_215, %select_n3A_134 : vector<16xi32>
        %select_n3A_221 = arith.select %eq3A_220, %gather3A_216, %broadcast_in_dim3A_6 : vector<16xi1>, vector<16xf32>
        %add3A_222 = arith.addf %add3A_201, %select_n3A_221 : vector<16xf32>
        %mul3A_223 = arith.constant 16 : i32
        %mul3A_224 = arith.muli %scan3A_179, %mul3A_223 : i32
        %add3A_225 = arith.constant 2 : i32
        %add3A_226 = arith.addi %mul3A_224, %add3A_225 : i32
        %mul3A_227 = arith.constant 16 : i32
        %mul3A_228 = arith.muli %add3A_226, %mul3A_227 : i32
        %get3A_229 = arith.constant 0 : i32
        %get3A_230 = arith.index_cast %get3A_229 : i32 to index
        %get3A_231 = arith.index_cast %mul3A_228 : i32 to index
        %get3A_232 = tpu.vector_load %arg11[%get3A_230, %get3A_231] {strides = array<i32>} : memref<2x2560xi32, #tpu.memory_space<vmem>>, vector<16xi32>,
        %get3A_233 = arith.constant 1 : i32
        %get3A_234 = arith.index_cast %get3A_233 : i32 to index
        %get3A_235 = arith.index_cast %mul3A_228 : i32 to index
        %get3A_236 = tpu.vector_load %arg11[%get3A_234, %get3A_235] {strides = array<i32>} : memref<2x2560xi32, #tpu.memory_space<vmem>>, vector<16xi32>,
        %gather3A_237 = tpu.vector_load_idx %arg8[%get3A_232] : memref<100000xf32, #tpu.memory_space<vmem>>[vector<16xi32>], vector<16xf32>,
        %eq3A_238 = arith.cmpi eq, %get3A_236, %select_n3A_133 : vector<16xi32>
        %select_n3A_239 = arith.select %eq3A_238, %gather3A_237, %broadcast_in_dim3A_6 : vector<16xi1>, vector<16xf32>
        %add3A_240 = arith.addf %add3A_219, %select_n3A_239 : vector<16xf32>
        %eq3A_241 = arith.cmpi eq, %get3A_236, %select_n3A_134 : vector<16xi32>
        %select_n3A_242 = arith.select %eq3A_241, %gather3A_237, %broadcast_in_dim3A_6 : vector<16xi1>, vector<16xf32>
        %add3A_243 = arith.addf %add3A_222, %select_n3A_242 : vector<16xf32>
        %mul3A_244 = arith.constant 16 : i32
        %mul3A_245 = arith.muli %scan3A_179, %mul3A_244 : i32
        %add3A_246 = arith.constant 3 : i32
        %add3A_247 = arith.addi %mul3A_245, %add3A_246 : i32
        %mul3A_248 = arith.constant 16 : i32
        %mul3A_249 = arith.muli %add3A_247, %mul3A_248 : i32
        %get3A_250 = arith.constant 0 : i32
        %get3A_251 = arith.index_cast %get3A_250 : i32 to index
        %get3A_252 = arith.index_cast %mul3A_249 : i32 to index
        %get3A_253 = tpu.vector_load %arg11[%get3A_251, %get3A_252] {strides = array<i32>} : memref<2x2560xi32, #tpu.memory_space<vmem>>, vector<16xi32>,
        %get3A_254 = arith.constant 1 : i32
        %get3A_255 = arith.index_cast %get3A_254 : i32 to index
        %get3A_256 = arith.index_cast %mul3A_249 : i32 to index
        %get3A_257 = tpu.vector_load %arg11[%get3A_255, %get3A_256] {strides = array<i32>} : memref<2x2560xi32, #tpu.memory_space<vmem>>, vector<16xi32>,
        %gather3A_258 = tpu.vector_load_idx %arg8[%get3A_253] : memref<100000xf32, #tpu.memory_space<vmem>>[vector<16xi32>], vector<16xf32>,
        %eq3A_259 = arith.cmpi eq, %get3A_257, %select_n3A_133 : vector<16xi32>
        %select_n3A_260 = arith.select %eq3A_259, %gather3A_258, %broadcast_in_dim3A_6 : vector<16xi1>, vector<16xf32>
        %add3A_261 = arith.addf %add3A_240, %select_n3A_260 : vector<16xf32>
        %eq3A_262 = arith.cmpi eq, %get3A_257, %select_n3A_134 : vector<16xi32>
        %select_n3A_263 = arith.select %eq3A_262, %gather3A_258, %broadcast_in_dim3A_6 : vector<16xi1>, vector<16xf32>
        %add3A_264 = arith.addf %add3A_243, %select_n3A_263 : vector<16xf32>
        %mul3A_265 = arith.constant 16 : i32
        %mul3A_266 = arith.muli %scan3A_179, %mul3A_265 : i32
        %add3A_267 = arith.constant 4 : i32
        %add3A_268 = arith.addi %mul3A_266, %add3A_267 : i32
        %mul3A_269 = arith.constant 16 : i32
        %mul3A_270 = arith.muli %add3A_268, %mul3A_269 : i32
        %get3A_271 = arith.constant 0 : i32
        %get3A_272 = arith.index_cast %get3A_271 : i32 to index
        %get3A_273 = arith.index_cast %mul3A_270 : i32 to index
        %get3A_274 = tpu.vector_load %arg11[%get3A_272, %get3A_273] {strides = array<i32>} : memref<2x2560xi32, #tpu.memory_space<vmem>>, vector<16xi32>,
        %get3A_275 = arith.constant 1 : i32
        %get3A_276 = arith.index_cast %get3A_275 : i32 to index
        %get3A_277 = arith.index_cast %mul3A_270 : i32 to index
        %get3A_278 = tpu.vector_load %arg11[%get3A_276, %get3A_277] {strides = array<i32>} : memref<2x2560xi32, #tpu.memory_space<vmem>>, vector<16xi32>,
        %gather3A_279 = tpu.vector_load_idx %arg8[%get3A_274] : memref<100000xf32, #tpu.memory_space<vmem>>[vector<16xi32>], vector<16xf32>,
        %eq3A_280 = arith.cmpi eq, %get3A_278, %select_n3A_133 : vector<16xi32>
        %select_n3A_281 = arith.select %eq3A_280, %gather3A_279, %broadcast_in_dim3A_6 : vector<16xi1>, vector<16xf32>
        %add3A_282 = arith.addf %add3A_261, %select_n3A_281 : vector<16xf32>
        %eq3A_283 = arith.cmpi eq, %get3A_278, %select_n3A_134 : vector<16xi32>
        %select_n3A_284 = arith.select %eq3A_283, %gather3A_279, %broadcast_in_dim3A_6 : vector<16xi1>, vector<16xf32>
        %add3A_285 = arith.addf %add3A_264, %select_n3A_284 : vector<16xf32>
        %mul3A_286 = arith.constant 16 : i32
        %mul3A_287 = arith.muli %scan3A_179, %mul3A_286 : i32
        %add3A_288 = arith.constant 5 : i32
        %add3A_289 = arith.addi %mul3A_287, %add3A_288 : i32
        %mul3A_290 = arith.constant 16 : i32
        %mul3A_291 = arith.muli %add3A_289, %mul3A_290 : i32
        %get3A_292 = arith.constant 0 : i32
        %get3A_293 = arith.index_cast %get3A_292 : i32 to index
        %get3A_294 = arith.index_cast %mul3A_291 : i32 to index
        %get3A_295 = tpu.vector_load %arg11[%get3A_293, %get3A_294] {strides = array<i32>} : memref<2x2560xi32, #tpu.memory_space<vmem>>, vector<16xi32>,
        %get3A_296 = arith.constant 1 : i32
        %get3A_297 = arith.index_cast %get3A_296 : i32 to index
        %get3A_298 = arith.index_cast %mul3A_291 : i32 to index
        %get3A_299 = tpu.vector_load %arg11[%get3A_297, %get3A_298] {strides = array<i32>} : memref<2x2560xi32, #tpu.memory_space<vmem>>, vector<16xi32>,
        %gather3A_300 = tpu.vector_load_idx %arg8[%get3A_295] : memref<100000xf32, #tpu.memory_space<vmem>>[vector<16xi32>], vector<16xf32>,
        %eq3A_301 = arith.cmpi eq, %get3A_299, %select_n3A_133 : vector<16xi32>
        %select_n3A_302 = arith.select %eq3A_301, %gather3A_300, %broadcast_in_dim3A_6 : vector<16xi1>, vector<16xf32>
        %add3A_303 = arith.addf %add3A_282, %select_n3A_302 : vector<16xf32>
        %eq3A_304 = arith.cmpi eq, %get3A_299, %select_n3A_134 : vector<16xi32>
        %select_n3A_305 = arith.select %eq3A_304, %gather3A_300, %broadcast_in_dim3A_6 : vector<16xi1>, vector<16xf32>
        %add3A_306 = arith.addf %add3A_285, %select_n3A_305 : vector<16xf32>
        %mul3A_307 = arith.constant 16 : i32
        %mul3A_308 = arith.muli %scan3A_179, %mul3A_307 : i32
        %add3A_309 = arith.constant 6 : i32
        %add3A_310 = arith.addi %mul3A_308, %add3A_309 : i32
        %mul3A_311 = arith.constant 16 : i32
        %mul3A_312 = arith.muli %add3A_310, %mul3A_311 : i32
        %get3A_313 = arith.constant 0 : i32
        %get3A_314 = arith.index_cast %get3A_313 : i32 to index
        %get3A_315 = arith.index_cast %mul3A_312 : i32 to index
        %get3A_316 = tpu.vector_load %arg11[%get3A_314, %get3A_315] {strides = array<i32>} : memref<2x2560xi32, #tpu.memory_space<vmem>>, vector<16xi32>,
        %get3A_317 = arith.constant 1 : i32
        %get3A_318 = arith.index_cast %get3A_317 : i32 to index
        %get3A_319 = arith.index_cast %mul3A_312 : i32 to index
        %get3A_320 = tpu.vector_load %arg11[%get3A_318, %get3A_319] {strides = array<i32>} : memref<2x2560xi32, #tpu.memory_space<vmem>>, vector<16xi32>,
        %gather3A_321 = tpu.vector_load_idx %arg8[%get3A_316] : memref<100000xf32, #tpu.memory_space<vmem>>[vector<16xi32>], vector<16xf32>,
        %eq3A_322 = arith.cmpi eq, %get3A_320, %select_n3A_133 : vector<16xi32>
        %select_n3A_323 = arith.select %eq3A_322, %gather3A_321, %broadcast_in_dim3A_6 : vector<16xi1>, vector<16xf32>
        %add3A_324 = arith.addf %add3A_303, %select_n3A_323 : vector<16xf32>
        %eq3A_325 = arith.cmpi eq, %get3A_320, %select_n3A_134 : vector<16xi32>
        %select_n3A_326 = arith.select %eq3A_325, %gather3A_321, %broadcast_in_dim3A_6 : vector<16xi1>, vector<16xf32>
        %add3A_327 = arith.addf %add3A_306, %select_n3A_326 : vector<16xf32>
        %mul3A_328 = arith.constant 16 : i32
        %mul3A_329 = arith.muli %scan3A_179, %mul3A_328 : i32
        %add3A_330 = arith.constant 7 : i32
        %add3A_331 = arith.addi %mul3A_329, %add3A_330 : i32
        %mul3A_332 = arith.constant 16 : i32
        %mul3A_333 = arith.muli %add3A_331, %mul3A_332 : i32
        %get3A_334 = arith.constant 0 : i32
        %get3A_335 = arith.index_cast %get3A_334 : i32 to index
        %get3A_336 = arith.index_cast %mul3A_333 : i32 to index
        %get3A_337 = tpu.vector_load %arg11[%get3A_335, %get3A_336] {strides = array<i32>} : memref<2x2560xi32, #tpu.memory_space<vmem>>, vector<16xi32>,
        %get3A_338 = arith.constant 1 : i32
        %get3A_339 = arith.index_cast %get3A_338 : i32 to index
        %get3A_340 = arith.index_cast %mul3A_333 : i32 to index
        %get3A_341 = tpu.vector_load %arg11[%get3A_339, %get3A_340] {strides = array<i32>} : memref<2x2560xi32, #tpu.memory_space<vmem>>, vector<16xi32>,
        %gather3A_342 = tpu.vector_load_idx %arg8[%get3A_337] : memref<100000xf32, #tpu.memory_space<vmem>>[vector<16xi32>], vector<16xf32>,
        %eq3A_343 = arith.cmpi eq, %get3A_341, %select_n3A_133 : vector<16xi32>
        %select_n3A_344 = arith.select %eq3A_343, %gather3A_342, %broadcast_in_dim3A_6 : vector<16xi1>, vector<16xf32>
        %add3A_345 = arith.addf %add3A_324, %select_n3A_344 : vector<16xf32>
        %eq3A_346 = arith.cmpi eq, %get3A_341, %select_n3A_134 : vector<16xi32>
        %select_n3A_347 = arith.select %eq3A_346, %gather3A_342, %broadcast_in_dim3A_6 : vector<16xi1>, vector<16xf32>
        %add3A_348 = arith.addf %add3A_327, %select_n3A_347 : vector<16xf32>
        %mul3A_349 = arith.constant 16 : i32
        %mul3A_350 = arith.muli %scan3A_179, %mul3A_349 : i32
        %add3A_351 = arith.constant 8 : i32
        %add3A_352 = arith.addi %mul3A_350, %add3A_351 : i32
        %mul3A_353 = arith.constant 16 : i32
        %mul3A_354 = arith.muli %add3A_352, %mul3A_353 : i32
        %get3A_355 = arith.constant 0 : i32
        %get3A_356 = arith.index_cast %get3A_355 : i32 to index
        %get3A_357 = arith.index_cast %mul3A_354 : i32 to index
        %get3A_358 = tpu.vector_load %arg11[%get3A_356, %get3A_357] {strides = array<i32>} : memref<2x2560xi32, #tpu.memory_space<vmem>>, vector<16xi32>,
        %get3A_359 = arith.constant 1 : i32
        %get3A_360 = arith.index_cast %get3A_359 : i32 to index
        %get3A_361 = arith.index_cast %mul3A_354 : i32 to index
        %get3A_362 = tpu.vector_load %arg11[%get3A_360, %get3A_361] {strides = array<i32>} : memref<2x2560xi32, #tpu.memory_space<vmem>>, vector<16xi32>,
        %gather3A_363 = tpu.vector_load_idx %arg8[%get3A_358] : memref<100000xf32, #tpu.memory_space<vmem>>[vector<16xi32>], vector<16xf32>,
        %eq3A_364 = arith.cmpi eq, %get3A_362, %select_n3A_133 : vector<16xi32>
        %select_n3A_365 = arith.select %eq3A_364, %gather3A_363, %broadcast_in_dim3A_6 : vector<16xi1>, vector<16xf32>
        %add3A_366 = arith.addf %add3A_345, %select_n3A_365 : vector<16xf32>
        %eq3A_367 = arith.cmpi eq, %get3A_362, %select_n3A_134 : vector<16xi32>
        %select_n3A_368 = arith.select %eq3A_367, %gather3A_363, %broadcast_in_dim3A_6 : vector<16xi1>, vector<16xf32>
        %add3A_369 = arith.addf %add3A_348, %select_n3A_368 : vector<16xf32>
        %mul3A_370 = arith.constant 16 : i32
        %mul3A_371 = arith.muli %scan3A_179, %mul3A_370 : i32
        %add3A_372 = arith.constant 9 : i32
        %add3A_373 = arith.addi %mul3A_371, %add3A_372 : i32
        %mul3A_374 = arith.constant 16 : i32
        %mul3A_375 = arith.muli %add3A_373, %mul3A_374 : i32
        %get3A_376 = arith.constant 0 : i32
        %get3A_377 = arith.index_cast %get3A_376 : i32 to index
        %get3A_378 = arith.index_cast %mul3A_375 : i32 to index
        %get3A_379 = tpu.vector_load %arg11[%get3A_377, %get3A_378] {strides = array<i32>} : memref<2x2560xi32, #tpu.memory_space<vmem>>, vector<16xi32>,
        %get3A_380 = arith.constant 1 : i32
        %get3A_381 = arith.index_cast %get3A_380 : i32 to index
        %get3A_382 = arith.index_cast %mul3A_375 : i32 to index
        %get3A_383 = tpu.vector_load %arg11[%get3A_381, %get3A_382] {strides = array<i32>} : memref<2x2560xi32, #tpu.memory_space<vmem>>, vector<16xi32>,
        %gather3A_384 = tpu.vector_load_idx %arg8[%get3A_379] : memref<100000xf32, #tpu.memory_space<vmem>>[vector<16xi32>], vector<16xf32>,
        %eq3A_385 = arith.cmpi eq, %get3A_383, %select_n3A_133 : vector<16xi32>
        %select_n3A_386 = arith.select %eq3A_385, %gather3A_384, %broadcast_in_dim3A_6 : vector<16xi1>, vector<16xf32>
        %add3A_387 = arith.addf %add3A_366, %select_n3A_386 : vector<16xf32>
        %eq3A_388 = arith.cmpi eq, %get3A_383, %select_n3A_134 : vector<16xi32>
        %select_n3A_389 = arith.select %eq3A_388, %gather3A_384, %broadcast_in_dim3A_6 : vector<16xi1>, vector<16xf32>
        %add3A_390 = arith.addf %add3A_369, %select_n3A_389 : vector<16xf32>
        %mul3A_391 = arith.constant 16 : i32
        %mul3A_392 = arith.muli %scan3A_179, %mul3A_391 : i32
        %add3A_393 = arith.constant 10 : i32
        %add3A_394 = arith.addi %mul3A_392, %add3A_393 : i32
        %mul3A_395 = arith.constant 16 : i32
        %mul3A_396 = arith.muli %add3A_394, %mul3A_395 : i32
        %get3A_397 = arith.constant 0 : i32
        %get3A_398 = arith.index_cast %get3A_397 : i32 to index
        %get3A_399 = arith.index_cast %mul3A_396 : i32 to index
        %get3A_400 = tpu.vector_load %arg11[%get3A_398, %get3A_399] {strides = array<i32>} : memref<2x2560xi32, #tpu.memory_space<vmem>>, vector<16xi32>,
        %get3A_401 = arith.constant 1 : i32
        %get3A_402 = arith.index_cast %get3A_401 : i32 to index
        %get3A_403 = arith.index_cast %mul3A_396 : i32 to index
        %get3A_404 = tpu.vector_load %arg11[%get3A_402, %get3A_403] {strides = array<i32>} : memref<2x2560xi32, #tpu.memory_space<vmem>>, vector<16xi32>,
        %gather3A_405 = tpu.vector_load_idx %arg8[%get3A_400] : memref<100000xf32, #tpu.memory_space<vmem>>[vector<16xi32>], vector<16xf32>,
        %eq3A_406 = arith.cmpi eq, %get3A_404, %select_n3A_133 : vector<16xi32>
        %select_n3A_407 = arith.select %eq3A_406, %gather3A_405, %broadcast_in_dim3A_6 : vector<16xi1>, vector<16xf32>
        %add3A_408 = arith.addf %add3A_387, %select_n3A_407 : vector<16xf32>
        %eq3A_409 = arith.cmpi eq, %get3A_404, %select_n3A_134 : vector<16xi32>
        %select_n3A_410 = arith.select %eq3A_409, %gather3A_405, %broadcast_in_dim3A_6 : vector<16xi1>, vector<16xf32>
        %add3A_411 = arith.addf %add3A_390, %select_n3A_410 : vector<16xf32>
        %mul3A_412 = arith.constant 16 : i32
        %mul3A_413 = arith.muli %scan3A_179, %mul3A_412 : i32
        %add3A_414 = arith.constant 11 : i32
        %add3A_415 = arith.addi %mul3A_413, %add3A_414 : i32
        %mul3A_416 = arith.constant 16 : i32
        %mul3A_417 = arith.muli %add3A_415, %mul3A_416 : i32
        %get3A_418 = arith.constant 0 : i32
        %get3A_419 = arith.index_cast %get3A_418 : i32 to index
        %get3A_420 = arith.index_cast %mul3A_417 : i32 to index
        %get3A_421 = tpu.vector_load %arg11[%get3A_419, %get3A_420] {strides = array<i32>} : memref<2x2560xi32, #tpu.memory_space<vmem>>, vector<16xi32>,
        %get3A_422 = arith.constant 1 : i32
        %get3A_423 = arith.index_cast %get3A_422 : i32 to index
        %get3A_424 = arith.index_cast %mul3A_417 : i32 to index
        %get3A_425 = tpu.vector_load %arg11[%get3A_423, %get3A_424] {strides = array<i32>} : memref<2x2560xi32, #tpu.memory_space<vmem>>, vector<16xi32>,
        %gather3A_426 = tpu.vector_load_idx %arg8[%get3A_421] : memref<100000xf32, #tpu.memory_space<vmem>>[vector<16xi32>], vector<16xf32>,
        %eq3A_427 = arith.cmpi eq, %get3A_425, %select_n3A_133 : vector<16xi32>
        %select_n3A_428 = arith.select %eq3A_427, %gather3A_426, %broadcast_in_dim3A_6 : vector<16xi1>, vector<16xf32>
        %add3A_429 = arith.addf %add3A_408, %select_n3A_428 : vector<16xf32>
        %eq3A_430 = arith.cmpi eq, %get3A_425, %select_n3A_134 : vector<16xi32>
        %select_n3A_431 = arith.select %eq3A_430, %gather3A_426, %broadcast_in_dim3A_6 : vector<16xi1>, vector<16xf32>
        %add3A_432 = arith.addf %add3A_411, %select_n3A_431 : vector<16xf32>
        %mul3A_433 = arith.constant 16 : i32
        %mul3A_434 = arith.muli %scan3A_179, %mul3A_433 : i32
        %add3A_435 = arith.constant 12 : i32
        %add3A_436 = arith.addi %mul3A_434, %add3A_435 : i32
        %mul3A_437 = arith.constant 16 : i32
        %mul3A_438 = arith.muli %add3A_436, %mul3A_437 : i32
        %get3A_439 = arith.constant 0 : i32
        %get3A_440 = arith.index_cast %get3A_439 : i32 to index
        %get3A_441 = arith.index_cast %mul3A_438 : i32 to index
        %get3A_442 = tpu.vector_load %arg11[%get3A_440, %get3A_441] {strides = array<i32>} : memref<2x2560xi32, #tpu.memory_space<vmem>>, vector<16xi32>,
        %get3A_443 = arith.constant 1 : i32
        %get3A_444 = arith.index_cast %get3A_443 : i32 to index
        %get3A_445 = arith.index_cast %mul3A_438 : i32 to index
        %get3A_446 = tpu.vector_load %arg11[%get3A_444, %get3A_445] {strides = array<i32>} : memref<2x2560xi32, #tpu.memory_space<vmem>>, vector<16xi32>,
        %gather3A_447 = tpu.vector_load_idx %arg8[%get3A_442] : memref<100000xf32, #tpu.memory_space<vmem>>[vector<16xi32>], vector<16xf32>,
        %eq3A_448 = arith.cmpi eq, %get3A_446, %select_n3A_133 : vector<16xi32>
        %select_n3A_449 = arith.select %eq3A_448, %gather3A_447, %broadcast_in_dim3A_6 : vector<16xi1>, vector<16xf32>
        %add3A_450 = arith.addf %add3A_429, %select_n3A_449 : vector<16xf32>
        %eq3A_451 = arith.cmpi eq, %get3A_446, %select_n3A_134 : vector<16xi32>
        %select_n3A_452 = arith.select %eq3A_451, %gather3A_447, %broadcast_in_dim3A_6 : vector<16xi1>, vector<16xf32>
        %add3A_453 = arith.addf %add3A_432, %select_n3A_452 : vector<16xf32>
        %mul3A_454 = arith.constant 16 : i32
        %mul3A_455 = arith.muli %scan3A_179, %mul3A_454 : i32
        %add3A_456 = arith.constant 13 : i32
        %add3A_457 = arith.addi %mul3A_455, %add3A_456 : i32
        %mul3A_458 = arith.constant 16 : i32
        %mul3A_459 = arith.muli %add3A_457, %mul3A_458 : i32
        %get3A_460 = arith.constant 0 : i32
        %get3A_461 = arith.index_cast %get3A_460 : i32 to index
        %get3A_462 = arith.index_cast %mul3A_459 : i32 to index
        %get3A_463 = tpu.vector_load %arg11[%get3A_461, %get3A_462] {strides = array<i32>} : memref<2x2560xi32, #tpu.memory_space<vmem>>, vector<16xi32>,
        %get3A_464 = arith.constant 1 : i32
        %get3A_465 = arith.index_cast %get3A_464 : i32 to index
        %get3A_466 = arith.index_cast %mul3A_459 : i32 to index
        %get3A_467 = tpu.vector_load %arg11[%get3A_465, %get3A_466] {strides = array<i32>} : memref<2x2560xi32, #tpu.memory_space<vmem>>, vector<16xi32>,
        %gather3A_468 = tpu.vector_load_idx %arg8[%get3A_463] : memref<100000xf32, #tpu.memory_space<vmem>>[vector<16xi32>], vector<16xf32>,
        %eq3A_469 = arith.cmpi eq, %get3A_467, %select_n3A_133 : vector<16xi32>
        %select_n3A_470 = arith.select %eq3A_469, %gather3A_468, %broadcast_in_dim3A_6 : vector<16xi1>, vector<16xf32>
        %add3A_471 = arith.addf %add3A_450, %select_n3A_470 : vector<16xf32>
        %eq3A_472 = arith.cmpi eq, %get3A_467, %select_n3A_134 : vector<16xi32>
        %select_n3A_473 = arith.select %eq3A_472, %gather3A_468, %broadcast_in_dim3A_6 : vector<16xi1>, vector<16xf32>
        %add3A_474 = arith.addf %add3A_453, %select_n3A_473 : vector<16xf32>
        %mul3A_475 = arith.constant 16 : i32
        %mul3A_476 = arith.muli %scan3A_179, %mul3A_475 : i32
        %add3A_477 = arith.constant 14 : i32
        %add3A_478 = arith.addi %mul3A_476, %add3A_477 : i32
        %mul3A_479 = arith.constant 16 : i32
        %mul3A_480 = arith.muli %add3A_478, %mul3A_479 : i32
        %get3A_481 = arith.constant 0 : i32
        %get3A_482 = arith.index_cast %get3A_481 : i32 to index
        %get3A_483 = arith.index_cast %mul3A_480 : i32 to index
        %get3A_484 = tpu.vector_load %arg11[%get3A_482, %get3A_483] {strides = array<i32>} : memref<2x2560xi32, #tpu.memory_space<vmem>>, vector<16xi32>,
        %get3A_485 = arith.constant 1 : i32
        %get3A_486 = arith.index_cast %get3A_485 : i32 to index
        %get3A_487 = arith.index_cast %mul3A_480 : i32 to index
        %get3A_488 = tpu.vector_load %arg11[%get3A_486, %get3A_487] {strides = array<i32>} : memref<2x2560xi32, #tpu.memory_space<vmem>>, vector<16xi32>,
        %gather3A_489 = tpu.vector_load_idx %arg8[%get3A_484] : memref<100000xf32, #tpu.memory_space<vmem>>[vector<16xi32>], vector<16xf32>,
        %eq3A_490 = arith.cmpi eq, %get3A_488, %select_n3A_133 : vector<16xi32>
        %select_n3A_491 = arith.select %eq3A_490, %gather3A_489, %broadcast_in_dim3A_6 : vector<16xi1>, vector<16xf32>
        %add3A_492 = arith.addf %add3A_471, %select_n3A_491 : vector<16xf32>
        %eq3A_493 = arith.cmpi eq, %get3A_488, %select_n3A_134 : vector<16xi32>
        %select_n3A_494 = arith.select %eq3A_493, %gather3A_489, %broadcast_in_dim3A_6 : vector<16xi1>, vector<16xf32>
        %add3A_495 = arith.addf %add3A_474, %select_n3A_494 : vector<16xf32>
        %mul3A_496 = arith.constant 16 : i32
        %mul3A_497 = arith.muli %scan3A_179, %mul3A_496 : i32
        %add3A_498 = arith.constant 15 : i32
        %add3A_499 = arith.addi %mul3A_497, %add3A_498 : i32
        %mul3A_500 = arith.constant 16 : i32
        %mul3A_501 = arith.muli %add3A_499, %mul3A_500 : i32
        %get3A_502 = arith.constant 0 : i32
        %get3A_503 = arith.index_cast %get3A_502 : i32 to index
        %get3A_504 = arith.index_cast %mul3A_501 : i32 to index
        %get3A_505 = tpu.vector_load %arg11[%get3A_503, %get3A_504] {strides = array<i32>} : memref<2x2560xi32, #tpu.memory_space<vmem>>, vector<16xi32>,
        %get3A_506 = arith.constant 1 : i32
        %get3A_507 = arith.index_cast %get3A_506 : i32 to index
        %get3A_508 = arith.index_cast %mul3A_501 : i32 to index
        %get3A_509 = tpu.vector_load %arg11[%get3A_507, %get3A_508] {strides = array<i32>} : memref<2x2560xi32, #tpu.memory_space<vmem>>, vector<16xi32>,
        %gather3A_510 = tpu.vector_load_idx %arg8[%get3A_505] : memref<100000xf32, #tpu.memory_space<vmem>>[vector<16xi32>], vector<16xf32>,
        %eq3A_511 = arith.cmpi eq, %get3A_509, %select_n3A_133 : vector<16xi32>
        %select_n3A_512 = arith.select %eq3A_511, %gather3A_510, %broadcast_in_dim3A_6 : vector<16xi1>, vector<16xf32>
        %add3A_513 = arith.addf %add3A_492, %select_n3A_512 : vector<16xf32>
        %eq3A_514 = arith.cmpi eq, %get3A_509, %select_n3A_134 : vector<16xi32>
        %select_n3A_515 = arith.select %eq3A_514, %gather3A_510, %broadcast_in_dim3A_6 : vector<16xi1>, vector<16xf32>
        %add3A_516 = arith.addf %add3A_495, %select_n3A_515 : vector<16xf32>
        scf.yield %add3A_513, %add3A_516 : vector<16xf32>, vector<16xf32>
      }
      %scan3A_140 = arith.constant 10 : i32
      %add3A_141 = arith.constant 4 : i32
      %add3A_142 = arith.addi %add3A_120, %add3A_141 : i32
      %lt3A_143 = arith.constant 80 : i32
      %lt3A_144 = arith.cmpi slt, %add3A_142, %lt3A_143 : i32
      %convert_element_type3A_145 = arith.extui %lt3A_144 : i1 to i32
      %cond3A_146 = arith.constant 0 : i32
      %cond3A_147 = arith.cmpi ne, %convert_element_type3A_145, %cond3A_146 : i32
      scf.if %cond3A_147 {
        %add3A_179 = arith.constant 128 : i32
        %add3A_180 = arith.addi %add3A_123, %add3A_179 : i32
        %min3A_181 = arith.constant 2499 : i32
        %min3A_182 = arith.minsi %add3A_180, %min3A_181 : i32
        %mul3A_183 = arith.constant 2560 : i32
        %mul3A_184 = arith.muli %min3A_182, %mul3A_183 : i32
        %dma_start3A_185 = arith.constant 0 : i32
        %dma_start3A_186 = tpu.memref_slice %arg3[%dma_start3A_185, %mul3A_184] : memref<2x6400000xi32, #tpu.memory_space<hbm>> -> memref<2x2560xi32, #tpu.memory_space<hbm>>
        %dma_start3A_187 = arith.constant 0 : i32
        %dma_start3A_188 = tpu.memref_slice %arg3[%dma_start3A_187, %mul3A_184] : memref<2x6400000xi32, #tpu.memory_space<hbm>> -> memref<2x2560xi32, #tpu.memory_space<hbm>>
        tpu.enqueue_dma source(%dma_start3A_188 : memref<2x2560xi32, #tpu.memory_space<hbm>>) target(%arg11 : memref<2x2560xi32, #tpu.memory_space<vmem>>) target_semaphore(%arg19 : memref<!tpu.dma_semaphore, #tpu.memory_space<semaphore_mem>>)
      } else {
      }
      %mul3A_148 = arith.constant 4 : i32
      %mul3A_149 = arith.muli %mul3A_148, %scan3A_55 : i32
      %add3A_150 = arith.constant 3 : i32
      %add3A_151 = arith.addi %mul3A_149, %add3A_150 : i32
      %mul3A_152 = arith.constant 32 : i32
      %mul3A_153 = arith.muli %mul3A_152, %add3A_151 : i32
      %add3A_154 = arith.addi %add3A, %mul3A_153 : i32
      %lt3A_155 = arith.constant 2500 : i32
      %lt3A_156 = arith.cmpi slt, %add3A_154, %lt3A_155 : i32
      %broadcast_in_dim3A_157 = vector.broadcast %lt3A_156 : i1 to vector<16xi1>
      %dma_wait3A_158 = arith.constant 0 : i32
      %dma_wait3A_159 = arith.constant 0 : i32
      %dma_wait3A_160 = tpu.memref_slice %arg3[%dma_wait3A_158, %dma_wait3A_159] : memref<2x6400000xi32, #tpu.memory_space<hbm>> -> memref<2x2560xi32, #tpu.memory_space<hbm>>
      %dma_wait3A_161 = arith.constant 0 : i32
      %dma_wait3A_162 = arith.constant 0 : i32
      %dma_wait3A_163 = tpu.memref_slice %arg3[%dma_wait3A_161, %dma_wait3A_162] : memref<2x6400000xi32, #tpu.memory_space<hbm>> -> memref<2x2560xi32, #tpu.memory_space<hbm>>
      tpu.wait_dma2 semaphore(%arg20 : memref<!tpu.dma_semaphore, #tpu.memory_space<semaphore_mem>>) src(%dma_wait3A_163 : memref<2x2560xi32, #tpu.memory_space<hbm>>) dst(%arg12 : memref<2x2560xi32, #tpu.memory_space<vmem>>)
      %select_n3A_164 = arith.select %broadcast_in_dim3A_157, %get3A_1, %broadcast_in_dim3A_4 : vector<16xi1>, vector<16xi32>
      %select_n3A_165 = arith.select %broadcast_in_dim3A_157, %get3A_3, %broadcast_in_dim3A_4 : vector<16xi1>, vector<16xi32>
      %scan3A_166 = arith.constant 0 : i32
      %scan3A_167 = arith.constant 10 : i32
      %scan3A_168 = arith.addi %scan3A_166, %scan3A_167 : i32
      %scan3A_169 = arith.constant 1 : i32
      %scan3A_170:2 = scf.for %scan3A_179 = %scan3A_166 to %scan3A_168 step %scan3A_169 iter_args(%scan3A_180 = %scan3A_139#0, %scan3A_181 = %scan3A_139#1) -> (vector<16xf32>, vector<16xf32>)  : i32 {
        %mul3A_182 = arith.constant 16 : i32
        %mul3A_183 = arith.muli %scan3A_179, %mul3A_182 : i32
        %add3A_184 = arith.constant 0 : i32
        %add3A_185 = arith.addi %mul3A_183, %add3A_184 : i32
        %mul3A_186 = arith.constant 16 : i32
        %mul3A_187 = arith.muli %add3A_185, %mul3A_186 : i32
        %get3A_188 = arith.constant 0 : i32
        %get3A_189 = arith.index_cast %get3A_188 : i32 to index
        %get3A_190 = arith.index_cast %mul3A_187 : i32 to index
        %get3A_191 = tpu.vector_load %arg12[%get3A_189, %get3A_190] {strides = array<i32>} : memref<2x2560xi32, #tpu.memory_space<vmem>>, vector<16xi32>,
        %get3A_192 = arith.constant 1 : i32
        %get3A_193 = arith.index_cast %get3A_192 : i32 to index
        %get3A_194 = arith.index_cast %mul3A_187 : i32 to index
        %get3A_195 = tpu.vector_load %arg12[%get3A_193, %get3A_194] {strides = array<i32>} : memref<2x2560xi32, #tpu.memory_space<vmem>>, vector<16xi32>,
        %gather3A = tpu.vector_load_idx %arg8[%get3A_191] : memref<100000xf32, #tpu.memory_space<vmem>>[vector<16xi32>], vector<16xf32>,
        %eq3A_196 = arith.cmpi eq, %get3A_195, %select_n3A_164 : vector<16xi32>
        %select_n3A_197 = arith.select %eq3A_196, %gather3A, %broadcast_in_dim3A_6 : vector<16xi1>, vector<16xf32>
        %add3A_198 = arith.addf %scan3A_180, %select_n3A_197 : vector<16xf32>
        %eq3A_199 = arith.cmpi eq, %get3A_195, %select_n3A_165 : vector<16xi32>
        %select_n3A_200 = arith.select %eq3A_199, %gather3A, %broadcast_in_dim3A_6 : vector<16xi1>, vector<16xf32>
        %add3A_201 = arith.addf %scan3A_181, %select_n3A_200 : vector<16xf32>
        %mul3A_202 = arith.constant 16 : i32
        %mul3A_203 = arith.muli %scan3A_179, %mul3A_202 : i32
        %add3A_204 = arith.constant 1 : i32
        %add3A_205 = arith.addi %mul3A_203, %add3A_204 : i32
        %mul3A_206 = arith.constant 16 : i32
        %mul3A_207 = arith.muli %add3A_205, %mul3A_206 : i32
        %get3A_208 = arith.constant 0 : i32
        %get3A_209 = arith.index_cast %get3A_208 : i32 to index
        %get3A_210 = arith.index_cast %mul3A_207 : i32 to index
        %get3A_211 = tpu.vector_load %arg12[%get3A_209, %get3A_210] {strides = array<i32>} : memref<2x2560xi32, #tpu.memory_space<vmem>>, vector<16xi32>,
        %get3A_212 = arith.constant 1 : i32
        %get3A_213 = arith.index_cast %get3A_212 : i32 to index
        %get3A_214 = arith.index_cast %mul3A_207 : i32 to index
        %get3A_215 = tpu.vector_load %arg12[%get3A_213, %get3A_214] {strides = array<i32>} : memref<2x2560xi32, #tpu.memory_space<vmem>>, vector<16xi32>,
        %gather3A_216 = tpu.vector_load_idx %arg8[%get3A_211] : memref<100000xf32, #tpu.memory_space<vmem>>[vector<16xi32>], vector<16xf32>,
        %eq3A_217 = arith.cmpi eq, %get3A_215, %select_n3A_164 : vector<16xi32>
        %select_n3A_218 = arith.select %eq3A_217, %gather3A_216, %broadcast_in_dim3A_6 : vector<16xi1>, vector<16xf32>
        %add3A_219 = arith.addf %add3A_198, %select_n3A_218 : vector<16xf32>
        %eq3A_220 = arith.cmpi eq, %get3A_215, %select_n3A_165 : vector<16xi32>
        %select_n3A_221 = arith.select %eq3A_220, %gather3A_216, %broadcast_in_dim3A_6 : vector<16xi1>, vector<16xf32>
        %add3A_222 = arith.addf %add3A_201, %select_n3A_221 : vector<16xf32>
        %mul3A_223 = arith.constant 16 : i32
        %mul3A_224 = arith.muli %scan3A_179, %mul3A_223 : i32
        %add3A_225 = arith.constant 2 : i32
        %add3A_226 = arith.addi %mul3A_224, %add3A_225 : i32
        %mul3A_227 = arith.constant 16 : i32
        %mul3A_228 = arith.muli %add3A_226, %mul3A_227 : i32
        %get3A_229 = arith.constant 0 : i32
        %get3A_230 = arith.index_cast %get3A_229 : i32 to index
        %get3A_231 = arith.index_cast %mul3A_228 : i32 to index
        %get3A_232 = tpu.vector_load %arg12[%get3A_230, %get3A_231] {strides = array<i32>} : memref<2x2560xi32, #tpu.memory_space<vmem>>, vector<16xi32>,
        %get3A_233 = arith.constant 1 : i32
        %get3A_234 = arith.index_cast %get3A_233 : i32 to index
        %get3A_235 = arith.index_cast %mul3A_228 : i32 to index
        %get3A_236 = tpu.vector_load %arg12[%get3A_234, %get3A_235] {strides = array<i32>} : memref<2x2560xi32, #tpu.memory_space<vmem>>, vector<16xi32>,
        %gather3A_237 = tpu.vector_load_idx %arg8[%get3A_232] : memref<100000xf32, #tpu.memory_space<vmem>>[vector<16xi32>], vector<16xf32>,
        %eq3A_238 = arith.cmpi eq, %get3A_236, %select_n3A_164 : vector<16xi32>
        %select_n3A_239 = arith.select %eq3A_238, %gather3A_237, %broadcast_in_dim3A_6 : vector<16xi1>, vector<16xf32>
        %add3A_240 = arith.addf %add3A_219, %select_n3A_239 : vector<16xf32>
        %eq3A_241 = arith.cmpi eq, %get3A_236, %select_n3A_165 : vector<16xi32>
        %select_n3A_242 = arith.select %eq3A_241, %gather3A_237, %broadcast_in_dim3A_6 : vector<16xi1>, vector<16xf32>
        %add3A_243 = arith.addf %add3A_222, %select_n3A_242 : vector<16xf32>
        %mul3A_244 = arith.constant 16 : i32
        %mul3A_245 = arith.muli %scan3A_179, %mul3A_244 : i32
        %add3A_246 = arith.constant 3 : i32
        %add3A_247 = arith.addi %mul3A_245, %add3A_246 : i32
        %mul3A_248 = arith.constant 16 : i32
        %mul3A_249 = arith.muli %add3A_247, %mul3A_248 : i32
        %get3A_250 = arith.constant 0 : i32
        %get3A_251 = arith.index_cast %get3A_250 : i32 to index
        %get3A_252 = arith.index_cast %mul3A_249 : i32 to index
        %get3A_253 = tpu.vector_load %arg12[%get3A_251, %get3A_252] {strides = array<i32>} : memref<2x2560xi32, #tpu.memory_space<vmem>>, vector<16xi32>,
        %get3A_254 = arith.constant 1 : i32
        %get3A_255 = arith.index_cast %get3A_254 : i32 to index
        %get3A_256 = arith.index_cast %mul3A_249 : i32 to index
        %get3A_257 = tpu.vector_load %arg12[%get3A_255, %get3A_256] {strides = array<i32>} : memref<2x2560xi32, #tpu.memory_space<vmem>>, vector<16xi32>,
        %gather3A_258 = tpu.vector_load_idx %arg8[%get3A_253] : memref<100000xf32, #tpu.memory_space<vmem>>[vector<16xi32>], vector<16xf32>,
        %eq3A_259 = arith.cmpi eq, %get3A_257, %select_n3A_164 : vector<16xi32>
        %select_n3A_260 = arith.select %eq3A_259, %gather3A_258, %broadcast_in_dim3A_6 : vector<16xi1>, vector<16xf32>
        %add3A_261 = arith.addf %add3A_240, %select_n3A_260 : vector<16xf32>
        %eq3A_262 = arith.cmpi eq, %get3A_257, %select_n3A_165 : vector<16xi32>
        %select_n3A_263 = arith.select %eq3A_262, %gather3A_258, %broadcast_in_dim3A_6 : vector<16xi1>, vector<16xf32>
        %add3A_264 = arith.addf %add3A_243, %select_n3A_263 : vector<16xf32>
        %mul3A_265 = arith.constant 16 : i32
        %mul3A_266 = arith.muli %scan3A_179, %mul3A_265 : i32
        %add3A_267 = arith.constant 4 : i32
        %add3A_268 = arith.addi %mul3A_266, %add3A_267 : i32
        %mul3A_269 = arith.constant 16 : i32
        %mul3A_270 = arith.muli %add3A_268, %mul3A_269 : i32
        %get3A_271 = arith.constant 0 : i32
        %get3A_272 = arith.index_cast %get3A_271 : i32 to index
        %get3A_273 = arith.index_cast %mul3A_270 : i32 to index
        %get3A_274 = tpu.vector_load %arg12[%get3A_272, %get3A_273] {strides = array<i32>} : memref<2x2560xi32, #tpu.memory_space<vmem>>, vector<16xi32>,
        %get3A_275 = arith.constant 1 : i32
        %get3A_276 = arith.index_cast %get3A_275 : i32 to index
        %get3A_277 = arith.index_cast %mul3A_270 : i32 to index
        %get3A_278 = tpu.vector_load %arg12[%get3A_276, %get3A_277] {strides = array<i32>} : memref<2x2560xi32, #tpu.memory_space<vmem>>, vector<16xi32>,
        %gather3A_279 = tpu.vector_load_idx %arg8[%get3A_274] : memref<100000xf32, #tpu.memory_space<vmem>>[vector<16xi32>], vector<16xf32>,
        %eq3A_280 = arith.cmpi eq, %get3A_278, %select_n3A_164 : vector<16xi32>
        %select_n3A_281 = arith.select %eq3A_280, %gather3A_279, %broadcast_in_dim3A_6 : vector<16xi1>, vector<16xf32>
        %add3A_282 = arith.addf %add3A_261, %select_n3A_281 : vector<16xf32>
        %eq3A_283 = arith.cmpi eq, %get3A_278, %select_n3A_165 : vector<16xi32>
        %select_n3A_284 = arith.select %eq3A_283, %gather3A_279, %broadcast_in_dim3A_6 : vector<16xi1>, vector<16xf32>
        %add3A_285 = arith.addf %add3A_264, %select_n3A_284 : vector<16xf32>
        %mul3A_286 = arith.constant 16 : i32
        %mul3A_287 = arith.muli %scan3A_179, %mul3A_286 : i32
        %add3A_288 = arith.constant 5 : i32
        %add3A_289 = arith.addi %mul3A_287, %add3A_288 : i32
        %mul3A_290 = arith.constant 16 : i32
        %mul3A_291 = arith.muli %add3A_289, %mul3A_290 : i32
        %get3A_292 = arith.constant 0 : i32
        %get3A_293 = arith.index_cast %get3A_292 : i32 to index
        %get3A_294 = arith.index_cast %mul3A_291 : i32 to index
        %get3A_295 = tpu.vector_load %arg12[%get3A_293, %get3A_294] {strides = array<i32>} : memref<2x2560xi32, #tpu.memory_space<vmem>>, vector<16xi32>,
        %get3A_296 = arith.constant 1 : i32
        %get3A_297 = arith.index_cast %get3A_296 : i32 to index
        %get3A_298 = arith.index_cast %mul3A_291 : i32 to index
        %get3A_299 = tpu.vector_load %arg12[%get3A_297, %get3A_298] {strides = array<i32>} : memref<2x2560xi32, #tpu.memory_space<vmem>>, vector<16xi32>,
        %gather3A_300 = tpu.vector_load_idx %arg8[%get3A_295] : memref<100000xf32, #tpu.memory_space<vmem>>[vector<16xi32>], vector<16xf32>,
        %eq3A_301 = arith.cmpi eq, %get3A_299, %select_n3A_164 : vector<16xi32>
        %select_n3A_302 = arith.select %eq3A_301, %gather3A_300, %broadcast_in_dim3A_6 : vector<16xi1>, vector<16xf32>
        %add3A_303 = arith.addf %add3A_282, %select_n3A_302 : vector<16xf32>
        %eq3A_304 = arith.cmpi eq, %get3A_299, %select_n3A_165 : vector<16xi32>
        %select_n3A_305 = arith.select %eq3A_304, %gather3A_300, %broadcast_in_dim3A_6 : vector<16xi1>, vector<16xf32>
        %add3A_306 = arith.addf %add3A_285, %select_n3A_305 : vector<16xf32>
        %mul3A_307 = arith.constant 16 : i32
        %mul3A_308 = arith.muli %scan3A_179, %mul3A_307 : i32
        %add3A_309 = arith.constant 6 : i32
        %add3A_310 = arith.addi %mul3A_308, %add3A_309 : i32
        %mul3A_311 = arith.constant 16 : i32
        %mul3A_312 = arith.muli %add3A_310, %mul3A_311 : i32
        %get3A_313 = arith.constant 0 : i32
        %get3A_314 = arith.index_cast %get3A_313 : i32 to index
        %get3A_315 = arith.index_cast %mul3A_312 : i32 to index
        %get3A_316 = tpu.vector_load %arg12[%get3A_314, %get3A_315] {strides = array<i32>} : memref<2x2560xi32, #tpu.memory_space<vmem>>, vector<16xi32>,
        %get3A_317 = arith.constant 1 : i32
        %get3A_318 = arith.index_cast %get3A_317 : i32 to index
        %get3A_319 = arith.index_cast %mul3A_312 : i32 to index
        %get3A_320 = tpu.vector_load %arg12[%get3A_318, %get3A_319] {strides = array<i32>} : memref<2x2560xi32, #tpu.memory_space<vmem>>, vector<16xi32>,
        %gather3A_321 = tpu.vector_load_idx %arg8[%get3A_316] : memref<100000xf32, #tpu.memory_space<vmem>>[vector<16xi32>], vector<16xf32>,
        %eq3A_322 = arith.cmpi eq, %get3A_320, %select_n3A_164 : vector<16xi32>
        %select_n3A_323 = arith.select %eq3A_322, %gather3A_321, %broadcast_in_dim3A_6 : vector<16xi1>, vector<16xf32>
        %add3A_324 = arith.addf %add3A_303, %select_n3A_323 : vector<16xf32>
        %eq3A_325 = arith.cmpi eq, %get3A_320, %select_n3A_165 : vector<16xi32>
        %select_n3A_326 = arith.select %eq3A_325, %gather3A_321, %broadcast_in_dim3A_6 : vector<16xi1>, vector<16xf32>
        %add3A_327 = arith.addf %add3A_306, %select_n3A_326 : vector<16xf32>
        %mul3A_328 = arith.constant 16 : i32
        %mul3A_329 = arith.muli %scan3A_179, %mul3A_328 : i32
        %add3A_330 = arith.constant 7 : i32
        %add3A_331 = arith.addi %mul3A_329, %add3A_330 : i32
        %mul3A_332 = arith.constant 16 : i32
        %mul3A_333 = arith.muli %add3A_331, %mul3A_332 : i32
        %get3A_334 = arith.constant 0 : i32
        %get3A_335 = arith.index_cast %get3A_334 : i32 to index
        %get3A_336 = arith.index_cast %mul3A_333 : i32 to index
        %get3A_337 = tpu.vector_load %arg12[%get3A_335, %get3A_336] {strides = array<i32>} : memref<2x2560xi32, #tpu.memory_space<vmem>>, vector<16xi32>,
        %get3A_338 = arith.constant 1 : i32
        %get3A_339 = arith.index_cast %get3A_338 : i32 to index
        %get3A_340 = arith.index_cast %mul3A_333 : i32 to index
        %get3A_341 = tpu.vector_load %arg12[%get3A_339, %get3A_340] {strides = array<i32>} : memref<2x2560xi32, #tpu.memory_space<vmem>>, vector<16xi32>,
        %gather3A_342 = tpu.vector_load_idx %arg8[%get3A_337] : memref<100000xf32, #tpu.memory_space<vmem>>[vector<16xi32>], vector<16xf32>,
        %eq3A_343 = arith.cmpi eq, %get3A_341, %select_n3A_164 : vector<16xi32>
        %select_n3A_344 = arith.select %eq3A_343, %gather3A_342, %broadcast_in_dim3A_6 : vector<16xi1>, vector<16xf32>
        %add3A_345 = arith.addf %add3A_324, %select_n3A_344 : vector<16xf32>
        %eq3A_346 = arith.cmpi eq, %get3A_341, %select_n3A_165 : vector<16xi32>
        %select_n3A_347 = arith.select %eq3A_346, %gather3A_342, %broadcast_in_dim3A_6 : vector<16xi1>, vector<16xf32>
        %add3A_348 = arith.addf %add3A_327, %select_n3A_347 : vector<16xf32>
        %mul3A_349 = arith.constant 16 : i32
        %mul3A_350 = arith.muli %scan3A_179, %mul3A_349 : i32
        %add3A_351 = arith.constant 8 : i32
        %add3A_352 = arith.addi %mul3A_350, %add3A_351 : i32
        %mul3A_353 = arith.constant 16 : i32
        %mul3A_354 = arith.muli %add3A_352, %mul3A_353 : i32
        %get3A_355 = arith.constant 0 : i32
        %get3A_356 = arith.index_cast %get3A_355 : i32 to index
        %get3A_357 = arith.index_cast %mul3A_354 : i32 to index
        %get3A_358 = tpu.vector_load %arg12[%get3A_356, %get3A_357] {strides = array<i32>} : memref<2x2560xi32, #tpu.memory_space<vmem>>, vector<16xi32>,
        %get3A_359 = arith.constant 1 : i32
        %get3A_360 = arith.index_cast %get3A_359 : i32 to index
        %get3A_361 = arith.index_cast %mul3A_354 : i32 to index
        %get3A_362 = tpu.vector_load %arg12[%get3A_360, %get3A_361] {strides = array<i32>} : memref<2x2560xi32, #tpu.memory_space<vmem>>, vector<16xi32>,
        %gather3A_363 = tpu.vector_load_idx %arg8[%get3A_358] : memref<100000xf32, #tpu.memory_space<vmem>>[vector<16xi32>], vector<16xf32>,
        %eq3A_364 = arith.cmpi eq, %get3A_362, %select_n3A_164 : vector<16xi32>
        %select_n3A_365 = arith.select %eq3A_364, %gather3A_363, %broadcast_in_dim3A_6 : vector<16xi1>, vector<16xf32>
        %add3A_366 = arith.addf %add3A_345, %select_n3A_365 : vector<16xf32>
        %eq3A_367 = arith.cmpi eq, %get3A_362, %select_n3A_165 : vector<16xi32>
        %select_n3A_368 = arith.select %eq3A_367, %gather3A_363, %broadcast_in_dim3A_6 : vector<16xi1>, vector<16xf32>
        %add3A_369 = arith.addf %add3A_348, %select_n3A_368 : vector<16xf32>
        %mul3A_370 = arith.constant 16 : i32
        %mul3A_371 = arith.muli %scan3A_179, %mul3A_370 : i32
        %add3A_372 = arith.constant 9 : i32
        %add3A_373 = arith.addi %mul3A_371, %add3A_372 : i32
        %mul3A_374 = arith.constant 16 : i32
        %mul3A_375 = arith.muli %add3A_373, %mul3A_374 : i32
        %get3A_376 = arith.constant 0 : i32
        %get3A_377 = arith.index_cast %get3A_376 : i32 to index
        %get3A_378 = arith.index_cast %mul3A_375 : i32 to index
        %get3A_379 = tpu.vector_load %arg12[%get3A_377, %get3A_378] {strides = array<i32>} : memref<2x2560xi32, #tpu.memory_space<vmem>>, vector<16xi32>,
        %get3A_380 = arith.constant 1 : i32
        %get3A_381 = arith.index_cast %get3A_380 : i32 to index
        %get3A_382 = arith.index_cast %mul3A_375 : i32 to index
        %get3A_383 = tpu.vector_load %arg12[%get3A_381, %get3A_382] {strides = array<i32>} : memref<2x2560xi32, #tpu.memory_space<vmem>>, vector<16xi32>,
        %gather3A_384 = tpu.vector_load_idx %arg8[%get3A_379] : memref<100000xf32, #tpu.memory_space<vmem>>[vector<16xi32>], vector<16xf32>,
        %eq3A_385 = arith.cmpi eq, %get3A_383, %select_n3A_164 : vector<16xi32>
        %select_n3A_386 = arith.select %eq3A_385, %gather3A_384, %broadcast_in_dim3A_6 : vector<16xi1>, vector<16xf32>
        %add3A_387 = arith.addf %add3A_366, %select_n3A_386 : vector<16xf32>
        %eq3A_388 = arith.cmpi eq, %get3A_383, %select_n3A_165 : vector<16xi32>
        %select_n3A_389 = arith.select %eq3A_388, %gather3A_384, %broadcast_in_dim3A_6 : vector<16xi1>, vector<16xf32>
        %add3A_390 = arith.addf %add3A_369, %select_n3A_389 : vector<16xf32>
        %mul3A_391 = arith.constant 16 : i32
        %mul3A_392 = arith.muli %scan3A_179, %mul3A_391 : i32
        %add3A_393 = arith.constant 10 : i32
        %add3A_394 = arith.addi %mul3A_392, %add3A_393 : i32
        %mul3A_395 = arith.constant 16 : i32
        %mul3A_396 = arith.muli %add3A_394, %mul3A_395 : i32
        %get3A_397 = arith.constant 0 : i32
        %get3A_398 = arith.index_cast %get3A_397 : i32 to index
        %get3A_399 = arith.index_cast %mul3A_396 : i32 to index
        %get3A_400 = tpu.vector_load %arg12[%get3A_398, %get3A_399] {strides = array<i32>} : memref<2x2560xi32, #tpu.memory_space<vmem>>, vector<16xi32>,
        %get3A_401 = arith.constant 1 : i32
        %get3A_402 = arith.index_cast %get3A_401 : i32 to index
        %get3A_403 = arith.index_cast %mul3A_396 : i32 to index
        %get3A_404 = tpu.vector_load %arg12[%get3A_402, %get3A_403] {strides = array<i32>} : memref<2x2560xi32, #tpu.memory_space<vmem>>, vector<16xi32>,
        %gather3A_405 = tpu.vector_load_idx %arg8[%get3A_400] : memref<100000xf32, #tpu.memory_space<vmem>>[vector<16xi32>], vector<16xf32>,
        %eq3A_406 = arith.cmpi eq, %get3A_404, %select_n3A_164 : vector<16xi32>
        %select_n3A_407 = arith.select %eq3A_406, %gather3A_405, %broadcast_in_dim3A_6 : vector<16xi1>, vector<16xf32>
        %add3A_408 = arith.addf %add3A_387, %select_n3A_407 : vector<16xf32>
        %eq3A_409 = arith.cmpi eq, %get3A_404, %select_n3A_165 : vector<16xi32>
        %select_n3A_410 = arith.select %eq3A_409, %gather3A_405, %broadcast_in_dim3A_6 : vector<16xi1>, vector<16xf32>
        %add3A_411 = arith.addf %add3A_390, %select_n3A_410 : vector<16xf32>
        %mul3A_412 = arith.constant 16 : i32
        %mul3A_413 = arith.muli %scan3A_179, %mul3A_412 : i32
        %add3A_414 = arith.constant 11 : i32
        %add3A_415 = arith.addi %mul3A_413, %add3A_414 : i32
        %mul3A_416 = arith.constant 16 : i32
        %mul3A_417 = arith.muli %add3A_415, %mul3A_416 : i32
        %get3A_418 = arith.constant 0 : i32
        %get3A_419 = arith.index_cast %get3A_418 : i32 to index
        %get3A_420 = arith.index_cast %mul3A_417 : i32 to index
        %get3A_421 = tpu.vector_load %arg12[%get3A_419, %get3A_420] {strides = array<i32>} : memref<2x2560xi32, #tpu.memory_space<vmem>>, vector<16xi32>,
        %get3A_422 = arith.constant 1 : i32
        %get3A_423 = arith.index_cast %get3A_422 : i32 to index
        %get3A_424 = arith.index_cast %mul3A_417 : i32 to index
        %get3A_425 = tpu.vector_load %arg12[%get3A_423, %get3A_424] {strides = array<i32>} : memref<2x2560xi32, #tpu.memory_space<vmem>>, vector<16xi32>,
        %gather3A_426 = tpu.vector_load_idx %arg8[%get3A_421] : memref<100000xf32, #tpu.memory_space<vmem>>[vector<16xi32>], vector<16xf32>,
        %eq3A_427 = arith.cmpi eq, %get3A_425, %select_n3A_164 : vector<16xi32>
        %select_n3A_428 = arith.select %eq3A_427, %gather3A_426, %broadcast_in_dim3A_6 : vector<16xi1>, vector<16xf32>
        %add3A_429 = arith.addf %add3A_408, %select_n3A_428 : vector<16xf32>
        %eq3A_430 = arith.cmpi eq, %get3A_425, %select_n3A_165 : vector<16xi32>
        %select_n3A_431 = arith.select %eq3A_430, %gather3A_426, %broadcast_in_dim3A_6 : vector<16xi1>, vector<16xf32>
        %add3A_432 = arith.addf %add3A_411, %select_n3A_431 : vector<16xf32>
        %mul3A_433 = arith.constant 16 : i32
        %mul3A_434 = arith.muli %scan3A_179, %mul3A_433 : i32
        %add3A_435 = arith.constant 12 : i32
        %add3A_436 = arith.addi %mul3A_434, %add3A_435 : i32
        %mul3A_437 = arith.constant 16 : i32
        %mul3A_438 = arith.muli %add3A_436, %mul3A_437 : i32
        %get3A_439 = arith.constant 0 : i32
        %get3A_440 = arith.index_cast %get3A_439 : i32 to index
        %get3A_441 = arith.index_cast %mul3A_438 : i32 to index
        %get3A_442 = tpu.vector_load %arg12[%get3A_440, %get3A_441] {strides = array<i32>} : memref<2x2560xi32, #tpu.memory_space<vmem>>, vector<16xi32>,
        %get3A_443 = arith.constant 1 : i32
        %get3A_444 = arith.index_cast %get3A_443 : i32 to index
        %get3A_445 = arith.index_cast %mul3A_438 : i32 to index
        %get3A_446 = tpu.vector_load %arg12[%get3A_444, %get3A_445] {strides = array<i32>} : memref<2x2560xi32, #tpu.memory_space<vmem>>, vector<16xi32>,
        %gather3A_447 = tpu.vector_load_idx %arg8[%get3A_442] : memref<100000xf32, #tpu.memory_space<vmem>>[vector<16xi32>], vector<16xf32>,
        %eq3A_448 = arith.cmpi eq, %get3A_446, %select_n3A_164 : vector<16xi32>
        %select_n3A_449 = arith.select %eq3A_448, %gather3A_447, %broadcast_in_dim3A_6 : vector<16xi1>, vector<16xf32>
        %add3A_450 = arith.addf %add3A_429, %select_n3A_449 : vector<16xf32>
        %eq3A_451 = arith.cmpi eq, %get3A_446, %select_n3A_165 : vector<16xi32>
        %select_n3A_452 = arith.select %eq3A_451, %gather3A_447, %broadcast_in_dim3A_6 : vector<16xi1>, vector<16xf32>
        %add3A_453 = arith.addf %add3A_432, %select_n3A_452 : vector<16xf32>
        %mul3A_454 = arith.constant 16 : i32
        %mul3A_455 = arith.muli %scan3A_179, %mul3A_454 : i32
        %add3A_456 = arith.constant 13 : i32
        %add3A_457 = arith.addi %mul3A_455, %add3A_456 : i32
        %mul3A_458 = arith.constant 16 : i32
        %mul3A_459 = arith.muli %add3A_457, %mul3A_458 : i32
        %get3A_460 = arith.constant 0 : i32
        %get3A_461 = arith.index_cast %get3A_460 : i32 to index
        %get3A_462 = arith.index_cast %mul3A_459 : i32 to index
        %get3A_463 = tpu.vector_load %arg12[%get3A_461, %get3A_462] {strides = array<i32>} : memref<2x2560xi32, #tpu.memory_space<vmem>>, vector<16xi32>,
        %get3A_464 = arith.constant 1 : i32
        %get3A_465 = arith.index_cast %get3A_464 : i32 to index
        %get3A_466 = arith.index_cast %mul3A_459 : i32 to index
        %get3A_467 = tpu.vector_load %arg12[%get3A_465, %get3A_466] {strides = array<i32>} : memref<2x2560xi32, #tpu.memory_space<vmem>>, vector<16xi32>,
        %gather3A_468 = tpu.vector_load_idx %arg8[%get3A_463] : memref<100000xf32, #tpu.memory_space<vmem>>[vector<16xi32>], vector<16xf32>,
        %eq3A_469 = arith.cmpi eq, %get3A_467, %select_n3A_164 : vector<16xi32>
        %select_n3A_470 = arith.select %eq3A_469, %gather3A_468, %broadcast_in_dim3A_6 : vector<16xi1>, vector<16xf32>
        %add3A_471 = arith.addf %add3A_450, %select_n3A_470 : vector<16xf32>
        %eq3A_472 = arith.cmpi eq, %get3A_467, %select_n3A_165 : vector<16xi32>
        %select_n3A_473 = arith.select %eq3A_472, %gather3A_468, %broadcast_in_dim3A_6 : vector<16xi1>, vector<16xf32>
        %add3A_474 = arith.addf %add3A_453, %select_n3A_473 : vector<16xf32>
        %mul3A_475 = arith.constant 16 : i32
        %mul3A_476 = arith.muli %scan3A_179, %mul3A_475 : i32
        %add3A_477 = arith.constant 14 : i32
        %add3A_478 = arith.addi %mul3A_476, %add3A_477 : i32
        %mul3A_479 = arith.constant 16 : i32
        %mul3A_480 = arith.muli %add3A_478, %mul3A_479 : i32
        %get3A_481 = arith.constant 0 : i32
        %get3A_482 = arith.index_cast %get3A_481 : i32 to index
        %get3A_483 = arith.index_cast %mul3A_480 : i32 to index
        %get3A_484 = tpu.vector_load %arg12[%get3A_482, %get3A_483] {strides = array<i32>} : memref<2x2560xi32, #tpu.memory_space<vmem>>, vector<16xi32>,
        %get3A_485 = arith.constant 1 : i32
        %get3A_486 = arith.index_cast %get3A_485 : i32 to index
        %get3A_487 = arith.index_cast %mul3A_480 : i32 to index
        %get3A_488 = tpu.vector_load %arg12[%get3A_486, %get3A_487] {strides = array<i32>} : memref<2x2560xi32, #tpu.memory_space<vmem>>, vector<16xi32>,
        %gather3A_489 = tpu.vector_load_idx %arg8[%get3A_484] : memref<100000xf32, #tpu.memory_space<vmem>>[vector<16xi32>], vector<16xf32>,
        %eq3A_490 = arith.cmpi eq, %get3A_488, %select_n3A_164 : vector<16xi32>
        %select_n3A_491 = arith.select %eq3A_490, %gather3A_489, %broadcast_in_dim3A_6 : vector<16xi1>, vector<16xf32>
        %add3A_492 = arith.addf %add3A_471, %select_n3A_491 : vector<16xf32>
        %eq3A_493 = arith.cmpi eq, %get3A_488, %select_n3A_165 : vector<16xi32>
        %select_n3A_494 = arith.select %eq3A_493, %gather3A_489, %broadcast_in_dim3A_6 : vector<16xi1>, vector<16xf32>
        %add3A_495 = arith.addf %add3A_474, %select_n3A_494 : vector<16xf32>
        %mul3A_496 = arith.constant 16 : i32
        %mul3A_497 = arith.muli %scan3A_179, %mul3A_496 : i32
        %add3A_498 = arith.constant 15 : i32
        %add3A_499 = arith.addi %mul3A_497, %add3A_498 : i32
        %mul3A_500 = arith.constant 16 : i32
        %mul3A_501 = arith.muli %add3A_499, %mul3A_500 : i32
        %get3A_502 = arith.constant 0 : i32
        %get3A_503 = arith.index_cast %get3A_502 : i32 to index
        %get3A_504 = arith.index_cast %mul3A_501 : i32 to index
        %get3A_505 = tpu.vector_load %arg12[%get3A_503, %get3A_504] {strides = array<i32>} : memref<2x2560xi32, #tpu.memory_space<vmem>>, vector<16xi32>,
        %get3A_506 = arith.constant 1 : i32
        %get3A_507 = arith.index_cast %get3A_506 : i32 to index
        %get3A_508 = arith.index_cast %mul3A_501 : i32 to index
        %get3A_509 = tpu.vector_load %arg12[%get3A_507, %get3A_508] {strides = array<i32>} : memref<2x2560xi32, #tpu.memory_space<vmem>>, vector<16xi32>,
        %gather3A_510 = tpu.vector_load_idx %arg8[%get3A_505] : memref<100000xf32, #tpu.memory_space<vmem>>[vector<16xi32>], vector<16xf32>,
        %eq3A_511 = arith.cmpi eq, %get3A_509, %select_n3A_164 : vector<16xi32>
        %select_n3A_512 = arith.select %eq3A_511, %gather3A_510, %broadcast_in_dim3A_6 : vector<16xi1>, vector<16xf32>
        %add3A_513 = arith.addf %add3A_492, %select_n3A_512 : vector<16xf32>
        %eq3A_514 = arith.cmpi eq, %get3A_509, %select_n3A_165 : vector<16xi32>
        %select_n3A_515 = arith.select %eq3A_514, %gather3A_510, %broadcast_in_dim3A_6 : vector<16xi1>, vector<16xf32>
        %add3A_516 = arith.addf %add3A_495, %select_n3A_515 : vector<16xf32>
        scf.yield %add3A_513, %add3A_516 : vector<16xf32>, vector<16xf32>
      }
      %scan3A_171 = arith.constant 10 : i32
      %add3A_172 = arith.constant 4 : i32
      %add3A_173 = arith.addi %add3A_151, %add3A_172 : i32
      %lt3A_174 = arith.constant 80 : i32
      %lt3A_175 = arith.cmpi slt, %add3A_173, %lt3A_174 : i32
      %convert_element_type3A_176 = arith.extui %lt3A_175 : i1 to i32
      %cond3A_177 = arith.constant 0 : i32
      %cond3A_178 = arith.cmpi ne, %convert_element_type3A_176, %cond3A_177 : i32
      scf.if %cond3A_178 {
        %add3A_179 = arith.constant 128 : i32
        %add3A_180 = arith.addi %add3A_154, %add3A_179 : i32
        %min3A_181 = arith.constant 2499 : i32
        %min3A_182 = arith.minsi %add3A_180, %min3A_181 : i32
        %mul3A_183 = arith.constant 2560 : i32
        %mul3A_184 = arith.muli %min3A_182, %mul3A_183 : i32
        %dma_start3A_185 = arith.constant 0 : i32
        %dma_start3A_186 = tpu.memref_slice %arg3[%dma_start3A_185, %mul3A_184] : memref<2x6400000xi32, #tpu.memory_space<hbm>> -> memref<2x2560xi32, #tpu.memory_space<hbm>>
        %dma_start3A_187 = arith.constant 0 : i32
        %dma_start3A_188 = tpu.memref_slice %arg3[%dma_start3A_187, %mul3A_184] : memref<2x6400000xi32, #tpu.memory_space<hbm>> -> memref<2x2560xi32, #tpu.memory_space<hbm>>
        tpu.enqueue_dma source(%dma_start3A_188 : memref<2x2560xi32, #tpu.memory_space<hbm>>) target(%arg12 : memref<2x2560xi32, #tpu.memory_space<vmem>>) target_semaphore(%arg20 : memref<!tpu.dma_semaphore, #tpu.memory_space<semaphore_mem>>)
      } else {
      }
      scf.yield %scan3A_170#0, %scan3A_170#1 : vector<16xf32>, vector<16xf32>
    }
    %scan3A_51 = arith.constant 20 : i32
    %swap3A = arith.constant 0 : index
    %swap3A_52 = tpu.vector_load %arg15[%swap3A] {strides = array<i32>} : memref<16xf32, #tpu.memory_space<vmem>>, vector<16xf32>,
    tpu.vector_store %arg15[%swap3A], %scan3A_50#0 {strides = array<i32>} : memref<16xf32, #tpu.memory_space<vmem>>, vector<16xf32>,
    %swap3A_53 = arith.constant 0 : index
    %swap3A_54 = tpu.vector_load %arg16[%swap3A_53] {strides = array<i32>} : memref<16xf32, #tpu.memory_space<vmem>>, vector<16xf32>,
    tpu.vector_store %arg16[%swap3A_53], %scan3A_50#1 {strides = array<i32>} : memref<16xf32, #tpu.memory_space<vmem>>, vector<16xf32>,
    "tpu.region"() ({
      %run_scoped3A = tpu.sem_alloc : memref<!tpu.dma_semaphore, #tpu.memory_space<semaphore_mem>>
      %dma_start3A_55 = arith.constant 0 : i32
      %dma_start3A_56 = tpu.memref_slice %arg6[%add3A, %dma_start3A_55] : memref<32x16xf32, #tpu.memory_space<hbm>> -> memref<1x16xf32, #tpu.memory_space<hbm>>
      %dma_start3A_57 = tpu.memref_squeeze %dma_start3A_56 : memref<1x16xf32, #tpu.memory_space<hbm>> -> memref<16xf32, #tpu.memory_space<hbm>>
      %dma_start3A_58 = arith.constant 0 : i32
      %dma_start3A_59 = tpu.memref_slice %arg6[%add3A, %dma_start3A_58] : memref<32x16xf32, #tpu.memory_space<hbm>> -> memref<1x16xf32, #tpu.memory_space<hbm>>
      %dma_start3A_60 = tpu.memref_squeeze %dma_start3A_59 : memref<1x16xf32, #tpu.memory_space<hbm>> -> memref<16xf32, #tpu.memory_space<hbm>>
      tpu.enqueue_dma source(%arg15 : memref<16xf32, #tpu.memory_space<vmem>>) target(%dma_start3A_60 : memref<16xf32, #tpu.memory_space<hbm>>) target_semaphore(%run_scoped3A : memref<!tpu.dma_semaphore, #tpu.memory_space<semaphore_mem>>)
      %dma_wait3A = arith.constant 0 : i32
      %dma_wait3A_61 = tpu.memref_slice %arg6[%add3A, %dma_wait3A] : memref<32x16xf32, #tpu.memory_space<hbm>> -> memref<1x16xf32, #tpu.memory_space<hbm>>
      %dma_wait3A_62 = tpu.memref_squeeze %dma_wait3A_61 : memref<1x16xf32, #tpu.memory_space<hbm>> -> memref<16xf32, #tpu.memory_space<hbm>>
      %dma_wait3A_63 = arith.constant 0 : i32
      %dma_wait3A_64 = tpu.memref_slice %arg6[%add3A, %dma_wait3A_63] : memref<32x16xf32, #tpu.memory_space<hbm>> -> memref<1x16xf32, #tpu.memory_space<hbm>>
      %dma_wait3A_65 = tpu.memref_squeeze %dma_wait3A_64 : memref<1x16xf32, #tpu.memory_space<hbm>> -> memref<16xf32, #tpu.memory_space<hbm>>
      tpu.wait_dma2 semaphore(%run_scoped3A : memref<!tpu.dma_semaphore, #tpu.memory_space<semaphore_mem>>) src(%arg15 : memref<16xf32, #tpu.memory_space<vmem>>) dst(%dma_wait3A_65 : memref<16xf32, #tpu.memory_space<hbm>>)
      tpu.yield
    }) : () -> ()
    "tpu.region"() ({
      %run_scoped3A = tpu.sem_alloc : memref<!tpu.dma_semaphore, #tpu.memory_space<semaphore_mem>>
      %dma_start3A_55 = arith.constant 0 : i32
      %dma_start3A_56 = tpu.memref_slice %arg7[%add3A, %dma_start3A_55] : memref<32x16xf32, #tpu.memory_space<hbm>> -> memref<1x16xf32, #tpu.memory_space<hbm>>
      %dma_start3A_57 = tpu.memref_squeeze %dma_start3A_56 : memref<1x16xf32, #tpu.memory_space<hbm>> -> memref<16xf32, #tpu.memory_space<hbm>>
      %dma_start3A_58 = arith.constant 0 : i32
      %dma_start3A_59 = tpu.memref_slice %arg7[%add3A, %dma_start3A_58] : memref<32x16xf32, #tpu.memory_space<hbm>> -> memref<1x16xf32, #tpu.memory_space<hbm>>
      %dma_start3A_60 = tpu.memref_squeeze %dma_start3A_59 : memref<1x16xf32, #tpu.memory_space<hbm>> -> memref<16xf32, #tpu.memory_space<hbm>>
      tpu.enqueue_dma source(%arg16 : memref<16xf32, #tpu.memory_space<vmem>>) target(%dma_start3A_60 : memref<16xf32, #tpu.memory_space<hbm>>) target_semaphore(%run_scoped3A : memref<!tpu.dma_semaphore, #tpu.memory_space<semaphore_mem>>)
      %dma_wait3A = arith.constant 0 : i32
      %dma_wait3A_61 = tpu.memref_slice %arg7[%add3A, %dma_wait3A] : memref<32x16xf32, #tpu.memory_space<hbm>> -> memref<1x16xf32, #tpu.memory_space<hbm>>
      %dma_wait3A_62 = tpu.memref_squeeze %dma_wait3A_61 : memref<1x16xf32, #tpu.memory_space<hbm>> -> memref<16xf32, #tpu.memory_space<hbm>>
      %dma_wait3A_63 = arith.constant 0 : i32
      %dma_wait3A_64 = tpu.memref_slice %arg7[%add3A, %dma_wait3A_63] : memref<32x16xf32, #tpu.memory_space<hbm>> -> memref<1x16xf32, #tpu.memory_space<hbm>>
      %dma_wait3A_65 = tpu.memref_squeeze %dma_wait3A_64 : memref<1x16xf32, #tpu.memory_space<hbm>> -> memref<16xf32, #tpu.memory_space<hbm>>
      tpu.wait_dma2 semaphore(%run_scoped3A : memref<!tpu.dma_semaphore, #tpu.memory_space<semaphore_mem>>) src(%arg16 : memref<16xf32, #tpu.memory_space<vmem>>) dst(%dma_wait3A_65 : memref<16xf32, #tpu.memory_space<hbm>>)
      tpu.yield
    }) : () -> ()
    return
  }
}

</mosaic_0001>

<sc_bundles>
// kernel: kernel.3.cloned.1.call-start
scs
__scs_entry_jumppad:
0x0: {  	(pc) =	sbr.rel $0x88, $3  }
0x1: {  	(tag) =	ssettag $0x0;
	lr =	simm.s32 $0x1  }
0x2: {  	[smem:$0x3F9C] =	sst lr;
	_ =	strace $0xD0000000  }
0x3: {  	_ = 	snop  }
0x4: {  	_ = 	snop  }
0x5: {  	_ = 	snop  }
0x6: {  	_ = 	snop  }
0x7: {  	_ = 	snop  }
__scs_overlays_trampoline_lowered:
0x8: {  	[smem:$0x3FAB] =	sst s0  }
0x9: {  	[smem:$0x3FAC] =	sst s1  }
0xa: {  	[smem:$0x3FAD] =	sst s2  }
0xb: {  	[smem:$0x3FAE] =	sst s3  }
0xc: {  	[smem:$0x3FAF] =	sst s4  }
0xd: {  	[smem:$0x3FB0] =	sst s5  }
0xe: {  	[smem:$0x3FB1] =	sst s6  }
0xf: {  	[smem:$0x3FB2] =	sst s7  }
0x10: {  	[smem:$0x3FB3] =	sst s8  }
0x11: {  	[smem:$0x3FB4] =	sst s9;
	s0 =	simm.s32 @!p0 $0x0  }
0x12: {  	s1 =	sld [smem:$0x3F9A];
	s0 =	simm.s32 @p0 $0x1  }
0x13: {  	[smem:$0x3FB5] =	sst s0;
	s0 =	simm.s32 @!p1 $0x0  }
0x14: {  	s2 =	sld [smem:$0x3F99];
	s0 =	simm.s32 @p1 $0x1  }
0x15: {  	[smem:$0x3FB6] =	sst s0;
	s0 =	simm.s32 @!p2 $0x0  }
0x16: {  	s3 =	sld [smem:$0x3FDB];
	s0 =	simm.s32 @p2 $0x1  }
0x17: {  	s4 =	simm.s32 $0x1BF5;
	[smem:$0x3FB8] =	sst s0  }
0x18: {  	s0 =	sld [smem:$0x3F9B];
	_ =	swait.ge [sflag:s4], $0x0  }
0x19: {  	s7 =	sld [smem:$0x3F9C]  }
0x1a: {  	s8 =	sadd.s32 $0xFFFFE003, lr  }
0x1b: {  	s9 =	sadd.s32 $0xFFFFFEF7, lr;
	s5 =	simm.s32 $0xFFFFFFFF;
	p2 =	slt.u32 s8, $0xFFFFF086  }
0x1c: {  	p1 =	slt.u32 s9, $0xF7A;
	s5 =	simm.s32 @!p2 $0x0  }
0x1d: {  	s5 =	simm.s32 @p1 $0x1;
	p0 =	seq.s32 s7, s2  }
0x1e: {  	s7 =	smul.u32 @!p0 $0xF7A, s2;
	p2 =	seq.s32 @!p0 s5, $0x0  }
0x1f: {  	s9 =	smul.u32 $0xF7A, s1;
	s8 =	simm.s32 @!p0 $0x1BF5;
	p2 =	por !p2, p0  }
0x20: {  	[sflag:s8] =	ssyncset.s32 @!p0 $0xFFFFF086;
	s6 =	sadd.s32 @!p0 s3, s7;
	s7 =	simm.s32 @!p0 $0x108  }
0x21: {  	s3 =	sadd.s32 s3, s9;
	s6 =	sadd.s32 @!p0 $0x88, s6;
	s7 =	simm.s32 @p2 $0x1082  }
0x22: {  	[simem:s7], [sflag:s8] =	dma.local @!p0 [hbm:s6], $0xF7A  }
0x23: {  	s9 =	sor.u32 $0xD0000000, s2;
	s6 =	simm.s32 $0x108;
	_ =	swait.ge @!p0 [sflag:s8], $0x0  }
0x24: {  	s3 =	sadd.s32 $0x88, s3;
	s6 =	simm.s32 @!p1 $0x1082;
	[sflag:s4] =	ssyncset.s32 $0xFFFFF086  }
0x25: {  	[simem:s6], [sflag:s4] =	dma.local [hbm:s3], $0xF7A  }
0x26: {  	[smem:$0x3F9C] =	sst s1;
	(tag) =	ssettag s2;
	_ =	strace s9  }
0x27: {  	s1 =	sld [smem:$0x3FAC]  }
0x28: {  	s2 =	sld [smem:$0x3FAD]  }
0x29: {  	s4 =	sld [smem:$0x3FAF]  }
0x2a: {  	p0 =	seq.s32 s5, $0x0;
	s5 =	sld [smem:$0x3FB0]  }
0x2b: {  	s6 =	sld [smem:$0x3FB1]  }
0x2c: {  	s7 =	sld [smem:$0x3FB2]  }
0x2d: {  	s3 =	simm.s32 $0x108;
	s8 =	sld [smem:$0x3FB3]  }
0x2e: {  	s3 =	simm.s32 @!p0 $0x1082;
	s9 =	sld [smem:$0x3FB4]  }
0x2f: {  	lr =	sadd.s32 s0, s3;
	s0 =	sld [smem:$0x3FAB]  }
0x30: {  	s3 =	sld [smem:$0x3FAE]  }
0x31: {  	[smem:$0x3FB7] =	sst s10  }
0x32: {  	s10 =	sld [smem:$0x3FB5];
	_ =	sdelay $0x3  }
0x33: {  	p0 =	seq.s32 s10, $0x1;
	s10 =	sld [smem:$0x3FB7];
	_ =	sdelay $0x3  }
0x34: {  	[smem:$0x3FB7] =	sst s10  }
0x35: {  	s10 =	sld [smem:$0x3FB6];
	_ =	sdelay $0x3  }
0x36: {  	p1 =	seq.s32 s10, $0x1;
	s10 =	sld [smem:$0x3FB7];
	_ =	sdelay $0x3  }
0x37: {  	[smem:$0x3FB7] =	sst s10  }
0x38: {  	s10 =	sld [smem:$0x3FB8]  }
0x39: {  	_ = 	snop;
	(pc) =	sbr.ind lr, $3  }
0x3a: {  	_ = 	snop  }
0x3b: {  	_ = 	snop  }
0x3c: {  	p2 =	seq.s32 s10, $0x1;
	s10 =	sld [smem:$0x3FB7]  }
0x3d: {  	_ =	shalt  }
0x3e: {  	_ =	shalt  }
0x3f: {  	_ =	shalt  }
0x40: {  	_ =	shalt  }
0x41: {  	_ =	shalt  }
0x42: {  	_ =	shalt  }
0x43: {  	_ =	shalt  }
0x44: {  	_ =	shalt  }
0x45: {  	_ =	shalt  }
0x46: {  	_ =	shalt  }
0x47: {  	_ =	shalt  }
0x48: {  	_ =	shalt  }
0x49: {  	_ =	shalt  }
0x4a: {  	_ =	shalt  }
0x4b: {  	_ =	shalt  }
0x4c: {  	_ =	shalt  }
0x4d: {  	_ =	shalt  }
0x4e: {  	_ =	shalt  }
0x4f: {  	_ =	shalt  }
0x50: {  	_ =	shalt  }
0x51: {  	_ =	shalt  }
0x52: {  	_ =	shalt  }
0x53: {  	_ =	shalt  }
0x54: {  	_ =	shalt  }
0x55: {  	_ =	shalt  }
0x56: {  	_ =	shalt  }
0x57: {  	_ =	shalt  }
0x58: {  	_ =	shalt  }
0x59: {  	_ =	shalt  }
0x5a: {  	_ =	shalt  }
0x5b: {  	_ =	shalt  }
0x5c: {  	_ =	shalt  }
0x5d: {  	_ =	shalt  }
0x5e: {  	_ =	shalt  }
0x5f: {  	_ =	shalt  }
0x60: {  	_ =	shalt  }
0x61: {  	_ =	shalt  }
0x62: {  	_ =	shalt  }
0x63: {  	_ =	shalt  }
0x64: {  	_ =	shalt  }
0x65: {  	_ =	shalt  }
0x66: {  	_ =	shalt  }
0x67: {  	_ =	shalt  }
0x68: {  	_ =	shalt  }
0x69: {  	_ =	shalt  }
0x6a: {  	_ =	shalt  }
0x6b: {  	_ =	shalt  }
0x6c: {  	_ =	shalt  }
0x6d: {  	_ =	shalt  }
0x6e: {  	_ =	shalt  }
0x6f: {  	_ =	shalt  }
0x70: {  	_ =	shalt  }
0x71: {  	_ =	shalt  }
0x72: {  	_ =	shalt  }
0x73: {  	_ =	shalt  }
0x74: {  	_ =	shalt  }
0x75: {  	_ =	shalt  }
0x76: {  	_ =	shalt  }
0x77: {  	_ =	shalt  }
0x78: {  	_ =	shalt  }
0x79: {  	_ =	shalt  }
0x7a: {  	_ =	shalt  }
0x7b: {  	_ =	shalt  }
0x7c: {  	_ =	shalt  }
0x7d: {  	_ =	shalt  }
0x7e: {  	_ =	shalt  }
0x7f: {  	_ =	shalt  }
0x80: {  	_ =	shalt  }
0x81: {  	_ =	shalt  }
0x82: {  	_ =	shalt  }
0x83: {  	_ =	shalt  }
0x84: {  	_ =	shalt  }
0x85: {  	_ =	shalt  }
0x86: {  	_ =	shalt  }
0x87: {  	_ =	shalt  }
.Lfunc_end0:
.L_simem_size_0:
called_computation_lowered:
.L_overlay_start_0:
0x88: {  	s2 =	sld [smem:$0x3FD9]  }
0x89: {  	s3 =	sld [smem:$0x3FFE];
	_ =	sdelay $0x1  }
0x8a: {  	s1 =	srdreg.scid  }
0x8b: {  	s0 =	sand.u32 $0x1, s1  }
0x8c: {  	s17 =	sshll.u32 s0, $0xA;
	s2 =	sadd.s32 s3, s2  }
0x8d: {  	s2 =	sadd.s32 s2, s17  }
0x8e: {  	[smem:$0x3FC3] =	sst s2  }
0x8f: {  	_ = 	snop  }
0x90: {  	s2 =	sld [smem:$0x3FC8];
	(tm) =	ssettm $0x1  }
0x91: {  	s18 =	sld [smem:$0x3FFB];
	_ =	sdelay $0x3  }
0x92: {  	_ =	strace s18  }
0x93: {  	s3 =	sld [smem:$0x3FFC];
	_ =	sdelay $0x3  }
0x94: {  	_ =	strace s3  }
0x95: {  	s3 =	sld [smem:$0x3FFD];
	_ =	sdelay $0x3  }
0x96: {  	_ =	strace s3  }
0x97: {  	_ =	strace $0x8FFFFFFF  }
0x98: {  	s19 =	sld [smem:$0x3FDB];
	_ =	sdelay $0x1  }
0x99: {  	s4 =	simm.s32 $_scs_section_size  }
0x9a: {  	s5 =	simm.s32 $_size__tile_overlayer_lowered;
	s6 =	simm.s32 $_tile_overlayer_lowered  }
0x9b: {  	s22 =	simm.s32 $0x1BFF;
	s21 =	sshll.u32 s6, $0x1;
	s3 =	sadd.s32 s4, s19  }
0x9c: {  	s7 =	simm.s32 $0x0;
	s20 =	sshll.u32 s5, $0x1;
	s5 =	sadd.s32 s21, s3  }
0x9d: {  	[timem:s7], [sflag:s22] =	dma.local [hbm:s5], s20  }
0x9e: {  	_ =	swait.ge [sflag:s22], s20  }
0x9f: {  	s4 =	ssub.s32 $0x0, s20;
	[sflag:s22] =	ssyncset.done $0x0  }
0xa0: {  	[sflag:s22] =	ssyncadd.s32 s4;
	_ =	sdelay $0x1  }
0xa1: {  	s23 =	simm.s32 $0x1B8B  }
0xa2: {  	_ =	swait.ge [sflag:s23], $0x1  }
0xa3: {  	[sflag:s23] =	ssyncset.done $0x0  }
0xa4: {  	s25 =	simm.s32 $0x1B8E;
	s24 =	sld [smem:$0x3FFE];
	[sflag:s23] =	ssyncadd.s32 $0xFFFFFFFF  }
0xa5: {  	s26 =	simm.s32 $execute0_lowered;
	[smem:$0x3FD2] =	sst s25  }
0xa6: {  	s5 =	sshll.u32 s26, $0x1;
	_ =	strace $0x80000046;
	[dreg:$0x1] =	wrdreg $0xFFFFFFFF  }
0xa7: {  	s28 =	simm.s32 $_size_execute0_lowered;
	s3 =	sadd.s32 s3, s5;
	[dreg:$0x0] =	wrdreg $0x0  }
0xa8: {  	s5 =	sshll.u32 s28, $0x1;
	[dreg:$0x2] =	wrdreg s3  }
0xa9: {  	[dreg:$0x3] =	wrdreg s5  }
0xaa: {  	[dreg:$0x4] =	wrdreg $0xC0  }
0xab: {  	_ =	task [dreg:s7], $0x5FFFF  }
0xac: {  	[dreg:$0x1] =	wrdreg $0xFFFFFFFF  }
0xad: {  	[dreg:$0x0] =	wrdreg $0x60  }
0xae: {  	[dreg:$0x2] =	wrdreg s24  }
0xaf: {  	[dreg:$0x3] =	wrdreg s2  }
0xb0: {  	[dreg:$0x4] =	wrdreg $0x1D9000  }
0xb1: {  	[dreg:$0x5] =	wrdreg $0x9  }
0xb2: {  	_ =	task.clear_ibuf [dreg:s7], $0x6FFFF;
	_ =	strace $0x90000046  }
0xb3: {  	s29 =	simm.s32 $0x9;
	_ =	strace $0x80000048  }
0xb4: {  	_ =	swait.ge [sflag:s29], $0x1  }
0xb5: {  	[sflag:s29] =	ssyncadd.s32 $0xFFFFFFFF  }
0xb6: {  	_ =	strace $0x90000048  }
0xb7: {  	_ =	sfence  }
0xb8: {  	s30 =	sld [smem:$0x0];
	_ =	sdelay $0x2  }
0xb9: {  	s31 =	sshll.u32 s1, $0xD;
	s1 =	sshrl.u32 s1, $0x2  }
0xba: {  	s3 =	sand.u32 $0x4000, s31;
	s1 =	sadd.s32 s1, s30  }
0xbb: {  	s0 =	sor.u32 s3, s0;
	s1 =	sshll.u32 s1, $0x11  }
0xbc: {  	s0 =	sor.u32 s1, s0  }
0xbd: {  	s0 =	sadd.s32 $0x8F2B, s0  }
0xbe: {  	[sflag:s0] =	ssyncadd.remote.s32 $0x1  }
0xbf: {  	_ =	sfence.sel $0xFFFF  }
0xc0: {  	[dreg:$0x0] =	wrdreg $0xFFFFFFFF;
	(pc) =	sbr.abs _section_cstart, $3  }
0xc1: {  	[dreg:$0x1] =	wrdreg $0xFFFFFFFF  }
0xc2: {  	_ =	task.clear_ibuf [dreg:s7], $0x2FFFF;
	_ =	strace $0x9FFFFFFF  }
0xc3: {  	(tm) =	ssettm $0x7FFFFFFF  }
tec
execute0_lowered:
.L_overlay_start_1:
0x0: {  	(tag) =	ssettag $0x1  }
0x1: {  	s1 =	rddreg [dreg:$0x0]  }
0x2: {  	s2 =	rddreg [dreg:$0x1]  }
0x3: {  	s3 =	rddreg [dreg:$0x2];
	s0 =	srdreg.scid  }
0x4: {  	s15 =	stileid.u32;
	s4 =	simm.s32 $0x0;
	s16 =	simm.s32 $0x5  }
0x5: {  	s19 =	simm.s32 $0x19B00;
	s20 =	simm.s32 $0x1AF00;
	s21 =	simm.s32 $0x1C300  }
0x6: {  	s23 =	simm.s32 $0x1;
	s24 =	simm.s32 $0x2;
	s25 =	simm.s32 $0x3  }
0x7: {  	s26 =	simm.s32 $0x4;
	s28 =	simm.s32 $0x1D800;
	s29 =	simm.s32 $0x1D880  }
0x8: {  	s30 =	simm.s32 $0x0;
	s0 =	sand.u32 $0x1, s0;
	s5 =	sshll.u32 s15, $0x1  }
0x9: {  	[smem:$0x7FF] =	sst s4;
	s6 =	sadd.s32 $0x3200, s1;
	s7 =	sadd.s32 $0x3400, s1  }
0xa: {  	p0 =	sne.s32 s15, $0x0;
	s5 =	sor.u32 s0, s5;
	_ =	strace $0x80000047  }
0xb: {  	s0 =	ssub.s32 $0x2, s0;
	s22 =	sshrl.u32 @!p0 s3, $0x3;
	s8 =	smul.u32 $0x1400, s5  }
.Ltmp0:
0xc: {  	s9 =	sshll.u32 s5, $0x4;
	s31 =	sshrl.u32 s0, $0x1;
	(pc) =	sbr.rel .LBB2_1-.Ltmp0, $4  }
0xd: {  	s10 =	smul.u32 $0x280, s5;
	s13 =	sadd.s32 s9, s1;
	s0 =	ssub.s32 s0, s31  }
0xe: {  	s8 =	sshrl.u32 s8, $0x3;
	s12 =	sadd.s32 $0x3800, s13;
	s13 =	sadd.s32 $0x3600, s13  }
0xf: {  	s14 =	smax.u32 s0, $0x1;
	s11 =	sadd.s32 s2, s8;
	s8 =	sadd.s32 s2, s10  }
0x10: {  	s9 =	sadd.s32 $0x5000, s11;
	s10 =	sadd.s32 $0xA000, s11;
	s11 =	sadd.s32 $0xF000, s11  }
.LBB2_12:
0x11: {  	[tilespmem:$0x1D800] =	vst v12  }
0x12: {  	[tilespmem:$0x1D880] =	vst v11  }
0x13: {  	[hbm4b:s12+s4] =	stream.linear.scatter [tilespmem:s28], [sflag:$0x5], $0x80, $0x38;
	[tilespmem:$0x1F170] =	vst v63  }
0x14: {  	s30 =	sadd.s32 $0x1, s30;
	_ =	swait.ge [sflag:s16], $0x80  }
0x15: {  	p1 =	sne.s32 s30, s14;
	[sflag:s16] =	ssyncset.done $0x0  }
.Ltmp1:
0x16: {  	[sflag:s16] =	ssyncadd.s32 $0xFFFFFF80;
	(pc) =	sbr.rel @!p1 .LBB2_13-.Ltmp1, $4  }
0x17: {  	[hbm4b:s13+s4] =	stream.linear.scatter [tilespmem:s29], [sflag:$0x5], $0x80, $0x38;
	[tilespmem:$0x1F170] =	vst v63  }
0x18: {  	_ =	swait.ge [sflag:s16], $0x80  }
0x19: {  	[sflag:s16] =	ssyncset.done $0x0  }
0x1a: {  	[sflag:s16] =	ssyncadd.s32 $0xFFFFFF80  }
.LBB2_1:
0x1b: {  	s0 =	simm.s32 $0x1D700  }
0x1c: {  	[tilespmem:s0], [sflag:$0x5] =	stream.linear.gather [hbm4b:s6+s4], $0x80, $0x38;
	[tilespmem:$0x1F170] =	vst v63  }
0x1d: {  	_ =	swait.ge [sflag:s16], $0x80  }
0x1e: {  	[sflag:s16] =	ssyncset.done $0x0  }
0x1f: {  	s17 =	simm.s32 $0x1D780;
	[sflag:s16] =	ssyncadd.s32 $0xFFFFFF80  }
0x20: {  	[tilespmem:s17], [sflag:$0x5] =	stream.linear.gather [hbm4b:s7+s4], $0x80, $0x38;
	[tilespmem:$0x1F170] =	vst v63  }
0x21: {  	_ =	swait.ge [sflag:s16], $0x80  }
0x22: {  	[sflag:s16] =	ssyncset.done $0x0  }
0x23: {  	[sflag:s16] =	ssyncadd.s32 $0xFFFFFF80  }
0x24: {  	s18 =	simm.s32 $0x18700;
	v0 =	vld [tilespmem:$0x1D700]  }
0x25: {  	v1 =	vld [tilespmem:$0x1D780];
	[tilespmem:s18], [sflag:$0x1] =	stream.linear.gather [hbm4b:s8+s4], $0x1400, $0x38  }
0x26: {  	_ = 	snop  }
0x27: {  	[tilespmem:s19], [sflag:$0x2] =	stream.linear.gather [hbm4b:s9+s4], $0x1400, $0x38;
	[tilespmem:$0x1F170] =	vst v63  }
0x28: {  	_ = 	snop  }
0x29: {  	[tilespmem:s20], [sflag:$0x3] =	stream.linear.gather [hbm4b:s10+s4], $0x1400, $0x38;
	[tilespmem:$0x1F170] =	vst v63  }
0x2a: {  	s0 =	simm.s32 @!p0 $0x1C05  }
0x2b: {  	[tilespmem:s21], [sflag:$0x4] =	stream.linear.gather [hbm4b:s11+s4], $0x1400, $0x38;
	[tilespmem:$0x1F170] =	vst v63  }
0x2c: {  	[spmem:s22], [sflag:s0] =	dma.local @!p0 [hbm:s1], $0x30E0  }
0x2d: {  	s0 =	simm.s32 @!p0 $0x5  }
0x2e: {  	_ =	swait.ge @!p0 [sflag:s0], $0x30E0  }
0x2f: {  	[sflag:s0] =	ssyncset.done @!p0 $0x0  }
0x30: {  	[sflag:s0] =	ssyncadd.s32 @!p0 $0xFFFFCF20  }
0x31: {  	[bflag:$0x0] =	sbarrier.arrive $0xFFFF  }
0x32: {  	[tilespmem:s4], [sflag:$0x5] =	stream.linear.gather [spmem:s3], $0x18700, $0x38;
	[tilespmem:$0x1F170] =	vst v63  }
0x33: {  	_ =	swait.ge [sflag:s16], $0x18700  }
0x34: {  	[sflag:s16] =	ssyncset.done $0x0  }
0x35: {  	v11 =	vimm.f32 $0.0e+00;
	v12 =	vimm.f32 $0.0e+00;
	s31 =	simm.s32 $0x0;
	[sflag:s16] =	ssyncadd.s32 $0xFFFE7900  }
.LBB2_2:
0x36: {  	_ =	swait.ge [sflag:s23], $0x1400  }
0x37: {  	[sflag:s23] =	ssyncset.done $0x0  }
0x38: {  	s15 =	simm.s32 $0x0;
	[sflag:s23] =	ssyncadd.s32 $0xFFFFEC00  }
0x39: {  	v2 =	vld [tilespmem:s15+$0x188B0]  }
0x3a: {  	v3 =	vld [tilespmem:s15+$0x188A0]  }
0x3b: {  	v4 =	vld [tilespmem:s15+$0x18890]  }
0x3c: {  	v5 =	vld [tilespmem:s15+$0x18880]  }
0x3d: {  	v6 =	vld [tilespmem:s15+$0x187F0]  }
0x3e: {  	v7 =	vld [tilespmem:s15+$0x187E0]  }
0x3f: {  	v8 =	vld [tilespmem:s15+$0x187D0]  }
0x40: {  	s0 =	sshll.u32 s31, $0x7;
	v9 =	vld [tilespmem:s15+$0x187C0]  }
0x41: {  	s17 =	simm.s32 $0x800;
	s0 =	sor.u32 s5, s0;
	v10 =	vld [tilespmem:s15+$0x187B0]  }
.LBB2_3:
0x42: {  	p1 =	sne.s32 s17, $0x4800;
	v13 =	vld [tilespmem:s15+$0x18700]  }
0x43: {  	v14 =	vld [tilespmem:s15+$0x187A0]  }
0x44: {  	v15 =	vld [tilespmem:s15+$0x18710]  }
0x45: {  	v16 =	vld [tilespmem:s15+$0x18790]  }
0x46: {  	v17 =	vld [tilespmem:s15+$0x18720]  }
0x47: {  	v18 =	vld [tilespmem:s15+$0x18780]  }
0x48: {  	v19 =	vld [tilespmem:s15+$0x18730]  }
0x49: {  	v20 =	vld [tilespmem:s15+$0x18740]  }
0x4a: {  	v13 =	vld.idx.msk [tilespmem:v13+s4+$0x0], $0xffff  }
0x4b: {  	v21 =	vld [tilespmem:s15+$0x18750]  }
0x4c: {  	v15 =	vld.idx.msk [tilespmem:v15+s4+$0x0], $0xffff  }
0x4d: {  	v22 =	vld [tilespmem:s15+$0x18760]  }
0x4e: {  	v17 =	vld.idx.msk [tilespmem:v17+s4+$0x0], $0xffff  }
0x4f: {  	vm0 =	veq.s32 v18, v0;
	vm1 =	veq.s32 v18, v1;
	v18 =	vld [tilespmem:s15+$0x18770]  }
0x50: {  	v23 =	vnsel vm0, $0x0, v13;
	v13 =	vnsel vm1, $0x0, v13;
	vm0 =	veq.s32 v16, v0;
	v19 =	vld.idx.msk [tilespmem:v19+s4+$0x0], $0xffff  }
0x51: {  	vm1 =	veq.s32 v16, v1;
	v12 =	vadd.f32 v23, v12;
	v11 =	vadd.f32 v13, v11;
	v13 =	vld [tilespmem:s15+$0x18800]  }
0x52: {  	v16 =	vnsel vm0, $0x0, v15;
	v15 =	vnsel vm1, $0x0, v15;
	vm0 =	veq.s32 v14, v0;
	v20 =	vld.idx.msk [tilespmem:v20+s4+$0x0], $0xffff  }
0x53: {  	vm1 =	veq.s32 v14, v1;
	v12 =	vadd.f32 v16, v12;
	v11 =	vadd.f32 v15, v11;
	v14 =	vld [tilespmem:s15+$0x18810]  }
0x54: {  	v15 =	vnsel vm0, $0x0, v17;
	v16 =	vnsel vm1, $0x0, v17;
	vm0 =	veq.s32 v10, v0;
	v17 =	vld.idx.msk [tilespmem:v21+s4+$0x0], $0xffff  }
0x55: {  	vm1 =	veq.s32 v10, v1;
	v12 =	vadd.f32 v15, v12;
	v11 =	vadd.f32 v16, v11;
	v10 =	vld [tilespmem:s15+$0x18820]  }
0x56: {  	v15 =	vnsel vm0, $0x0, v19;
	v16 =	vnsel vm1, $0x0, v19;
	vm0 =	veq.s32 v9, v0;
	v19 =	vld.idx.msk [tilespmem:v22+s4+$0x0], $0xffff  }
0x57: {  	vm1 =	veq.s32 v9, v1;
	v12 =	vadd.f32 v15, v12;
	v11 =	vadd.f32 v16, v11;
	v9 =	vld [tilespmem:s15+$0x18830]  }
0x58: {  	v15 =	vnsel vm0, $0x0, v20;
	v16 =	vnsel vm1, $0x0, v20;
	vm0 =	veq.s32 v8, v0;
	v18 =	vld.idx.msk [tilespmem:v18+s4+$0x0], $0xffff  }
0x59: {  	vm1 =	veq.s32 v8, v1;
	v12 =	vadd.f32 v15, v12;
	v11 =	vadd.f32 v16, v11;
	v8 =	vld [tilespmem:s15+$0x18840]  }
0x5a: {  	v15 =	vnsel vm0, $0x0, v17;
	v16 =	vnsel vm1, $0x0, v17;
	vm0 =	veq.s32 v7, v0;
	v13 =	vld.idx.msk [tilespmem:v13+s4+$0x0], $0xffff  }
0x5b: {  	vm1 =	veq.s32 v7, v1;
	v12 =	vadd.f32 v15, v12;
	v11 =	vadd.f32 v16, v11;
	v7 =	vld [tilespmem:s15+$0x18850]  }
0x5c: {  	v15 =	vnsel vm0, $0x0, v19;
	v16 =	vnsel vm1, $0x0, v19;
	vm0 =	veq.s32 v6, v0;
	v14 =	vld.idx.msk [tilespmem:v14+s4+$0x0], $0xffff  }
0x5d: {  	vm1 =	veq.s32 v6, v1;
	v12 =	vadd.f32 v15, v12;
	v11 =	vadd.f32 v16, v11;
	v6 =	vld [tilespmem:s15+$0x18860]  }
0x5e: {  	v15 =	vnsel vm0, $0x0, v18;
	v16 =	vnsel vm1, $0x0, v18;
	vm0 =	veq.s32 v5, v0;
	v10 =	vld.idx.msk [tilespmem:v10+s4+$0x0], $0xffff  }
0x5f: {  	vm1 =	veq.s32 v5, v1;
	v12 =	vadd.f32 v15, v12;
	v11 =	vadd.f32 v16, v11;
	v5 =	vld [tilespmem:s15+$0x18870]  }
0x60: {  	v15 =	vnsel vm0, $0x0, v13;
	v13 =	vnsel vm1, $0x0, v13;
	vm0 =	veq.s32 v4, v0;
	v9 =	vld.idx.msk [tilespmem:v9+s4+$0x0], $0xffff  }
0x61: {  	vm1 =	veq.s32 v4, v1;
	v12 =	vadd.f32 v15, v12;
	v11 =	vadd.f32 v13, v11;
	v4 =	vld [tilespmem:s15+$0x188C0]  }
0x62: {  	v13 =	vnsel vm0, $0x0, v14;
	v14 =	vnsel vm1, $0x0, v14;
	vm0 =	veq.s32 v3, v0;
	v8 =	vld.idx.msk [tilespmem:v8+s4+$0x0], $0xffff  }
0x63: {  	vm1 =	veq.s32 v3, v1;
	v12 =	vadd.f32 v13, v12;
	v11 =	vadd.f32 v14, v11;
	v3 =	vld [tilespmem:s15+$0x188D0]  }
0x64: {  	v13 =	vnsel vm0, $0x0, v10;
	v10 =	vnsel vm1, $0x0, v10;
	vm0 =	veq.s32 v2, v0;
	v7 =	vld.idx.msk [tilespmem:v7+s4+$0x0], $0xffff  }
0x65: {  	vm1 =	veq.s32 v2, v1;
	v12 =	vadd.f32 v13, v12;
	v10 =	vadd.f32 v10, v11;
	v11 =	vld [tilespmem:s15+$0x188E0]  }
0x66: {  	v2 =	vnsel vm0, $0x0, v9;
	v9 =	vnsel vm1, $0x0, v9;
	vm0 =	veq.s32 v4, v0;
	v6 =	vld.idx.msk [tilespmem:v6+s4+$0x0], $0xffff  }
0x67: {  	v12 =	vadd.f32 v2, v12;
	v9 =	vadd.f32 v9, v10;
	vm1 =	veq.s32 v4, v1;
	v10 =	vld [tilespmem:s15+$0x188F0]  }
0x68: {  	s15 =	sshra.s32 s17, $0x2;
	v4 =	vnsel vm0, $0x0, v8;
	v8 =	vnsel vm1, $0x0, v8;
	vm0 =	veq.s32 v3, v0;
	v13 =	vld.idx.msk [tilespmem:v5+s4+$0x0], $0xffff  }
0x69: {  	v5 =	vadd.f32 v4, v12;
	v8 =	vadd.f32 v8, v9;
	vm1 =	veq.s32 v3, v1;
	v2 =	vld [tilespmem:s15+$0x188B0]  }
0x6a: {  	v9 =	vnsel vm0, $0x0, v7;
	v7 =	vnsel vm1, $0x0, v7;
	v3 =	vld [tilespmem:s15+$0x188A0];
	vm0 =	veq.s32 v11, v0  }
0x6b: {  	v9 =	vadd.f32 v9, v5;
	v7 =	vadd.f32 v7, v8;
	vm1 =	veq.s32 v11, v1;
	v4 =	vld [tilespmem:s15+$0x18890]  }
0x6c: {  	v8 =	vnsel vm0, $0x0, v6;
	v11 =	vnsel vm1, $0x0, v6;
	v5 =	vld [tilespmem:s15+$0x18880];
	vm0 =	veq.s32 v10, v0  }
.Ltmp2:
0x6d: {  	v9 =	vadd.f32 v8, v9;
	v11 =	vadd.f32 v11, v7;
	vm1 =	veq.s32 v10, v1;
	v6 =	vld [tilespmem:s15+$0x187F0];
	(pc) =	sbr.rel @p1 .LBB2_3-.Ltmp2, $4  }
0x6e: {  	v10 =	vnsel vm0, $0x0, v13;
	v13 =	vnsel vm1, $0x0, v13;
	v7 =	vld [tilespmem:s15+$0x187E0]  }
0x6f: {  	v12 =	vadd.f32 v10, v9;
	v11 =	vadd.f32 v13, v11;
	v8 =	vld [tilespmem:s15+$0x187D0]  }
0x70: {  	v9 =	vld [tilespmem:s15+$0x187C0]  }
0x71: {  	s17 =	sadd.s32 $0x800, s17;
	v10 =	vld [tilespmem:s15+$0x187B0]  }
0x72: {  	v13 =	vld [tilespmem:s15+$0x18700]  }
0x73: {  	v14 =	vld [tilespmem:s15+$0x187A0]  }
0x74: {  	v15 =	vld [tilespmem:s15+$0x18710]  }
0x75: {  	v16 =	vld [tilespmem:s15+$0x18790]  }
0x76: {  	v17 =	vld [tilespmem:s15+$0x18720]  }
0x77: {  	v18 =	vld [tilespmem:s15+$0x18780]  }
0x78: {  	v19 =	vld [tilespmem:s15+$0x18730]  }
0x79: {  	v20 =	vld [tilespmem:s15+$0x18740]  }
0x7a: {  	v21 =	vld [tilespmem:s15+$0x18750]  }
0x7b: {  	v22 =	vld [tilespmem:s15+$0x18760]  }
0x7c: {  	v23 =	vld [tilespmem:s15+$0x18770]  }
0x7d: {  	v24 =	vld [tilespmem:s15+$0x18800]  }
0x7e: {  	v25 =	vld [tilespmem:s15+$0x18810]  }
0x7f: {  	v26 =	vld [tilespmem:s15+$0x18820]  }
0x80: {  	v13 =	vld.idx.msk [tilespmem:v13+s4+$0x0], $0xffff  }
0x81: {  	v57 =	vld [tilespmem:s15+$0x18830]  }
0x82: {  	vm8 =	veq.s32 v7, v0;
	vm9 =	veq.s32 v7, v1;
	v15 =	vld.idx.msk [tilespmem:v15+s4+$0x0], $0xffff  }
0x83: {  	v7 =	vld [tilespmem:s15+$0x188C0];
	vm6 =	veq.s32 v8, v0;
	vm7 =	veq.s32 v8, v1;
	vm4 =	veq.s32 v9, v0  }
0x84: {  	vm5 =	veq.s32 v9, v1;
	vm14 =	veq.s32 v10, v0;
	vm0 =	veq.s32 v18, v0;
	v17 =	vld.idx.msk [tilespmem:v17+s4+$0x0], $0xffff  }
0x85: {  	v8 =	vld [tilespmem:s15+$0x18870];
	vm15 =	veq.s32 v10, v1;
	vm1 =	veq.s32 v18, v1;
	v55 =	vnsel vm0, $0x0, v13  }
0x86: {  	v9 =	vld [tilespmem:s15+$0x18860];
	vm10 =	veq.s32 v16, v0;
	v13 =	vnsel vm1, $0x0, v13;
	v12 =	vadd.f32 v55, v12  }
0x87: {  	vm11 =	veq.s32 v16, v1;
	v19 =	vld.idx.msk [tilespmem:v19+s4+$0x0], $0xffff;
	v11 =	vadd.f32 v13, v11;
	v13 =	vnsel vm10, $0x0, v15  }
0x88: {  	v10 =	vld [tilespmem:s15+$0x18850];
	vm12 =	veq.s32 v14, v0;
	v12 =	vadd.f32 v13, v12;
	v13 =	vnsel vm11, $0x0, v15  }
0x89: {  	vm13 =	veq.s32 v14, v1;
	v20 =	vld.idx.msk [tilespmem:v20+s4+$0x0], $0xffff;
	v11 =	vadd.f32 v13, v11;
	v13 =	vnsel vm12, $0x0, v17  }
0x8a: {  	v14 =	vld [tilespmem:s15+$0x18840];
	v12 =	vadd.f32 v13, v12;
	v13 =	vnsel vm13, $0x0, v17  }
0x8b: {  	v21 =	vld.idx.msk [tilespmem:v21+s4+$0x0], $0xffff;
	v11 =	vadd.f32 v13, v11  }
0x8c: {  	v56 =	vld.idx.msk [tilespmem:v22+s4+$0x0], $0xffff;
	v13 =	vnsel vm14, $0x0, v19;
	v19 =	vnsel vm15, $0x0, v19  }
0x8d: {  	v58 =	vld.idx.msk [tilespmem:v24+s4+$0x0], $0xffff;
	v12 =	vadd.f32 v13, v12;
	v11 =	vadd.f32 v19, v11  }
0x8e: {  	v59 =	vld.idx.msk [tilespmem:v25+s4+$0x0], $0xffff;
	v60 =	vnsel vm5, $0x0, v20;
	v13 =	vnsel vm4, $0x0, v20  }
0x8f: {  	v15 =	vld.idx.msk [tilespmem:v23+s4+$0x0], $0xffff;
	v12 =	vadd.f32 v13, v12;
	v11 =	vadd.f32 v60, v11  }
0x90: {  	v61 =	vld.idx.msk [tilespmem:v26+s4+$0x0], $0xffff;
	v62 =	vnsel vm7, $0x0, v21;
	v13 =	vnsel vm6, $0x0, v21  }
0x91: {  	v16 =	vld.idx.msk [tilespmem:v57+s4+$0x0], $0xffff;
	v12 =	vadd.f32 v13, v12;
	v11 =	vadd.f32 v62, v11  }
0x92: {  	p1 =	seq.s32 s31, $0x13;
	v63 =	vld.idx.msk [tilespmem:v8+s4+$0x0], $0xffff;
	v18 =	vnsel vm9, $0x0, v56;
	vm10 =	veq.s32 v6, v0;
	v13 =	vnsel vm8, $0x0, v56  }
0x93: {  	s17 =	smin.u32 @!p1 s0, $0x943;
	v9 =	vld.idx.msk [tilespmem:v9+s4+$0x0], $0xffff;
	vm11 =	veq.s32 v6, v1;
	v12 =	vadd.f32 v13, v12;
	v11 =	vadd.f32 v18, v11  }
0x94: {  	s17 =	smul.u32 @!p1 $0x1400, s17;
	v10 =	vld.idx.msk [tilespmem:v10+s4+$0x0], $0xffff;
	vm12 =	veq.s32 v5, v0;
	v13 =	vnsel vm10, $0x0, v15;
	v15 =	vnsel vm11, $0x0, v15  }
0x95: {  	v6 =	vld [tilespmem:s15+$0x188D0];
	vm13 =	veq.s32 v5, v1;
	v12 =	vadd.f32 v13, v12;
	v11 =	vadd.f32 v15, v11  }
0x96: {  	s17 =	sshrl.u32 @!p1 s17, $0x3;
	v5 =	vnsel vm12, $0x0, v58;
	vm14 =	veq.s32 v4, v0;
	v13 =	vld [tilespmem:s15+$0x188E0];
	v15 =	vnsel vm13, $0x0, v58  }
0x97: {  	vm15 =	veq.s32 v4, v1;
	v5 =	vadd.f32 v5, v12;
	v12 =	vld [tilespmem:s15+$0x188F0];
	s15 =	sadd.s32 @!p1 s2, s17;
	v11 =	vadd.f32 v15, v11  }
0x98: {  	s18 =	simm.s32 @!p1 $0x18700;
	v14 =	vld.idx.msk [tilespmem:v14+s4+$0x0], $0xffff;
	vm5 =	veq.s32 v3, v1;
	v4 =	vnsel vm14, $0x0, v59;
	s17 =	simm.s32 @!p1 $0x0;
	v15 =	vnsel vm15, $0x0, v59;
	s15 =	sadd.s32 @!p1 $0x14000, s15  }
0x99: {  	vm4 =	veq.s32 v3, v0;
	v4 =	vadd.f32 v4, v5;
	[tilespmem:s18], [sflag:$0x1] =	stream.linear.gather @!p1 [hbm4b:s15+s17], $0x1400, $0x38;
	v5 =	vadd.f32 v15, v11;
	[tilespmem:$0x1F170] =	vst v63  }
0x9a: {  	vm7 =	veq.s32 v2, v1;
	v8 =	vnsel vm5, $0x0, v61;
	v3 =	vnsel vm4, $0x0, v61;
	_ =	swait.ge [sflag:s24], $0x1400  }
0x9b: {  	vm6 =	veq.s32 v2, v0;
	v3 =	vadd.f32 v3, v4;
	[sflag:s24] =	ssyncset.done $0x0;
	v4 =	vadd.f32 v8, v5  }
0x9c: {  	vm9 =	veq.s32 v7, v1;
	v2 =	vnsel vm6, $0x0, v16;
	s15 =	simm.s32 $0x0;
	v5 =	vnsel vm7, $0x0, v16;
	[sflag:s24] =	ssyncadd.s32 $0xFFFFEC00  }
0x9d: {  	vm8 =	veq.s32 v7, v0;
	v8 =	vadd.f32 v2, v3;
	v2 =	vld [tilespmem:s15+$0x19CB0];
	v4 =	vadd.f32 v5, v4  }
0x9e: {  	v7 =	vnsel vm9, $0x0, v14;
	vm10 =	veq.s32 v6, v0;
	v3 =	vld [tilespmem:s15+$0x19CA0];
	v5 =	vnsel vm8, $0x0, v14  }
0x9f: {  	vm11 =	veq.s32 v6, v1;
	v8 =	vadd.f32 v5, v8;
	v5 =	vld [tilespmem:s15+$0x19C80];
	v7 =	vadd.f32 v7, v4  }
0xa0: {  	v6 =	vnsel vm10, $0x0, v10;
	v10 =	vnsel vm11, $0x0, v10;
	vm12 =	veq.s32 v13, v0;
	v4 =	vld [tilespmem:s15+$0x19C90]  }
0xa1: {  	vm13 =	veq.s32 v13, v1;
	v8 =	vadd.f32 v6, v8;
	v6 =	vld [tilespmem:s15+$0x19BF0];
	v10 =	vadd.f32 v10, v7  }
0xa2: {  	v11 =	vnsel vm12, $0x0, v9;
	v9 =	vnsel vm13, $0x0, v9;
	vm14 =	veq.s32 v12, v0;
	v7 =	vld [tilespmem:s15+$0x19BE0]  }
0xa3: {  	vm15 =	veq.s32 v12, v1;
	v11 =	vadd.f32 v11, v8;
	v8 =	vld [tilespmem:s15+$0x19BD0];
	v10 =	vadd.f32 v9, v10  }
0xa4: {  	v12 =	vnsel vm14, $0x0, v63;
	v13 =	vnsel vm15, $0x0, v63;
	v9 =	vld [tilespmem:s15+$0x19BC0]  }
0xa5: {  	s17 =	sor.u32 $0x20, s0;
	s18 =	simm.s32 $0x800;
	v12 =	vadd.f32 v12, v11;
	v11 =	vadd.f32 v13, v10;
	v10 =	vld [tilespmem:s15+$0x19BB0]  }
.LBB2_5:
0xa6: {  	p2 =	sne.s32 s18, $0x4800;
	v13 =	vld [tilespmem:s15+$0x19B00]  }
0xa7: {  	v14 =	vld [tilespmem:s15+$0x19BA0]  }
0xa8: {  	v15 =	vld [tilespmem:s15+$0x19B10]  }
0xa9: {  	v16 =	vld [tilespmem:s15+$0x19B90]  }
0xaa: {  	v17 =	vld [tilespmem:s15+$0x19B20]  }
0xab: {  	v18 =	vld [tilespmem:s15+$0x19B80]  }
0xac: {  	v19 =	vld [tilespmem:s15+$0x19B30]  }
0xad: {  	v20 =	vld [tilespmem:s15+$0x19B40]  }
0xae: {  	v13 =	vld.idx.msk [tilespmem:v13+s4+$0x0], $0xffff  }
0xaf: {  	v21 =	vld [tilespmem:s15+$0x19B50]  }
0xb0: {  	v15 =	vld.idx.msk [tilespmem:v15+s4+$0x0], $0xffff  }
0xb1: {  	v22 =	vld [tilespmem:s15+$0x19B60]  }
0xb2: {  	v17 =	vld.idx.msk [tilespmem:v17+s4+$0x0], $0xffff  }
0xb3: {  	vm0 =	veq.s32 v18, v0;
	vm1 =	veq.s32 v18, v1;
	v18 =	vld [tilespmem:s15+$0x19B70]  }
0xb4: {  	v23 =	vnsel vm0, $0x0, v13;
	v13 =	vnsel vm1, $0x0, v13;
	vm0 =	veq.s32 v16, v0;
	v19 =	vld.idx.msk [tilespmem:v19+s4+$0x0], $0xffff  }
0xb5: {  	vm1 =	veq.s32 v16, v1;
	v12 =	vadd.f32 v23, v12;
	v11 =	vadd.f32 v13, v11;
	v13 =	vld [tilespmem:s15+$0x19C00]  }
0xb6: {  	v16 =	vnsel vm0, $0x0, v15;
	v15 =	vnsel vm1, $0x0, v15;
	vm0 =	veq.s32 v14, v0;
	v20 =	vld.idx.msk [tilespmem:v20+s4+$0x0], $0xffff  }
0xb7: {  	vm1 =	veq.s32 v14, v1;
	v12 =	vadd.f32 v16, v12;
	v11 =	vadd.f32 v15, v11;
	v14 =	vld [tilespmem:s15+$0x19C10]  }
0xb8: {  	v15 =	vnsel vm0, $0x0, v17;
	v16 =	vnsel vm1, $0x0, v17;
	vm0 =	veq.s32 v10, v0;
	v17 =	vld.idx.msk [tilespmem:v21+s4+$0x0], $0xffff  }
0xb9: {  	vm1 =	veq.s32 v10, v1;
	v12 =	vadd.f32 v15, v12;
	v11 =	vadd.f32 v16, v11;
	v10 =	vld [tilespmem:s15+$0x19C20]  }
0xba: {  	v15 =	vnsel vm0, $0x0, v19;
	v16 =	vnsel vm1, $0x0, v19;
	vm0 =	veq.s32 v9, v0;
	v19 =	vld.idx.msk [tilespmem:v22+s4+$0x0], $0xffff  }
0xbb: {  	vm1 =	veq.s32 v9, v1;
	v12 =	vadd.f32 v15, v12;
	v11 =	vadd.f32 v16, v11;
	v9 =	vld [tilespmem:s15+$0x19C30]  }
0xbc: {  	v15 =	vnsel vm0, $0x0, v20;
	v16 =	vnsel vm1, $0x0, v20;
	vm0 =	veq.s32 v8, v0;
	v18 =	vld.idx.msk [tilespmem:v18+s4+$0x0], $0xffff  }
0xbd: {  	vm1 =	veq.s32 v8, v1;
	v12 =	vadd.f32 v15, v12;
	v11 =	vadd.f32 v16, v11;
	v8 =	vld [tilespmem:s15+$0x19C40]  }
0xbe: {  	v15 =	vnsel vm0, $0x0, v17;
	v16 =	vnsel vm1, $0x0, v17;
	vm0 =	veq.s32 v7, v0;
	v13 =	vld.idx.msk [tilespmem:v13+s4+$0x0], $0xffff  }
0xbf: {  	vm1 =	veq.s32 v7, v1;
	v12 =	vadd.f32 v15, v12;
	v11 =	vadd.f32 v16, v11;
	v7 =	vld [tilespmem:s15+$0x19C50]  }
0xc0: {  	v15 =	vnsel vm0, $0x0, v19;
	v16 =	vnsel vm1, $0x0, v19;
	vm0 =	veq.s32 v6, v0;
	v14 =	vld.idx.msk [tilespmem:v14+s4+$0x0], $0xffff  }
0xc1: {  	vm1 =	veq.s32 v6, v1;
	v12 =	vadd.f32 v15, v12;
	v11 =	vadd.f32 v16, v11;
	v6 =	vld [tilespmem:s15+$0x19C60]  }
0xc2: {  	v15 =	vnsel vm0, $0x0, v18;
	v16 =	vnsel vm1, $0x0, v18;
	vm0 =	veq.s32 v5, v0;
	v10 =	vld.idx.msk [tilespmem:v10+s4+$0x0], $0xffff  }
0xc3: {  	vm1 =	veq.s32 v5, v1;
	v12 =	vadd.f32 v15, v12;
	v11 =	vadd.f32 v16, v11;
	v5 =	vld [tilespmem:s15+$0x19C70]  }
0xc4: {  	v15 =	vnsel vm0, $0x0, v13;
	v13 =	vnsel vm1, $0x0, v13;
	vm0 =	veq.s32 v4, v0;
	v9 =	vld.idx.msk [tilespmem:v9+s4+$0x0], $0xffff  }
0xc5: {  	vm1 =	veq.s32 v4, v1;
	v12 =	vadd.f32 v15, v12;
	v11 =	vadd.f32 v13, v11;
	v4 =	vld [tilespmem:s15+$0x19CC0]  }
0xc6: {  	v13 =	vnsel vm0, $0x0, v14;
	v14 =	vnsel vm1, $0x0, v14;
	vm0 =	veq.s32 v3, v0;
	v8 =	vld.idx.msk [tilespmem:v8+s4+$0x0], $0xffff  }
0xc7: {  	vm1 =	veq.s32 v3, v1;
	v12 =	vadd.f32 v13, v12;
	v11 =	vadd.f32 v14, v11;
	v3 =	vld [tilespmem:s15+$0x19CD0]  }
0xc8: {  	v13 =	vnsel vm0, $0x0, v10;
	v10 =	vnsel vm1, $0x0, v10;
	vm0 =	veq.s32 v2, v0;
	v7 =	vld.idx.msk [tilespmem:v7+s4+$0x0], $0xffff  }
0xc9: {  	vm1 =	veq.s32 v2, v1;
	v12 =	vadd.f32 v13, v12;
	v10 =	vadd.f32 v10, v11;
	v11 =	vld [tilespmem:s15+$0x19CE0]  }
0xca: {  	v2 =	vnsel vm0, $0x0, v9;
	v9 =	vnsel vm1, $0x0, v9;
	vm0 =	veq.s32 v4, v0;
	v6 =	vld.idx.msk [tilespmem:v6+s4+$0x0], $0xffff  }
0xcb: {  	v12 =	vadd.f32 v2, v12;
	v9 =	vadd.f32 v9, v10;
	vm1 =	veq.s32 v4, v1;
	v10 =	vld [tilespmem:s15+$0x19CF0]  }
0xcc: {  	s15 =	sshra.s32 s18, $0x2;
	v4 =	vnsel vm0, $0x0, v8;
	v8 =	vnsel vm1, $0x0, v8;
	vm0 =	veq.s32 v3, v0;
	v13 =	vld.idx.msk [tilespmem:v5+s4+$0x0], $0xffff  }
0xcd: {  	v5 =	vadd.f32 v4, v12;
	v8 =	vadd.f32 v8, v9;
	vm1 =	veq.s32 v3, v1;
	v2 =	vld [tilespmem:s15+$0x19CB0]  }
0xce: {  	v9 =	vnsel vm0, $0x0, v7;
	v7 =	vnsel vm1, $0x0, v7;
	v3 =	vld [tilespmem:s15+$0x19CA0];
	vm0 =	veq.s32 v11, v0  }
0xcf: {  	v9 =	vadd.f32 v9, v5;
	v7 =	vadd.f32 v7, v8;
	vm1 =	veq.s32 v11, v1;
	v4 =	vld [tilespmem:s15+$0x19C90]  }
0xd0: {  	v8 =	vnsel vm0, $0x0, v6;
	v11 =	vnsel vm1, $0x0, v6;
	v5 =	vld [tilespmem:s15+$0x19C80];
	vm0 =	veq.s32 v10, v0  }
.Ltmp3:
0xd1: {  	v9 =	vadd.f32 v8, v9;
	v11 =	vadd.f32 v11, v7;
	vm1 =	veq.s32 v10, v1;
	v6 =	vld [tilespmem:s15+$0x19BF0];
	(pc) =	sbr.rel @p2 .LBB2_5-.Ltmp3, $4  }
0xd2: {  	v10 =	vnsel vm0, $0x0, v13;
	v13 =	vnsel vm1, $0x0, v13;
	v7 =	vld [tilespmem:s15+$0x19BE0]  }
0xd3: {  	v12 =	vadd.f32 v10, v9;
	v11 =	vadd.f32 v13, v11;
	v8 =	vld [tilespmem:s15+$0x19BD0]  }
0xd4: {  	v9 =	vld [tilespmem:s15+$0x19BC0]  }
0xd5: {  	s18 =	sadd.s32 $0x800, s18;
	v10 =	vld [tilespmem:s15+$0x19BB0]  }
0xd6: {  	v13 =	vld [tilespmem:s15+$0x19B00]  }
0xd7: {  	v14 =	vld [tilespmem:s15+$0x19BA0]  }
0xd8: {  	v15 =	vld [tilespmem:s15+$0x19B10]  }
0xd9: {  	v16 =	vld [tilespmem:s15+$0x19B90]  }
0xda: {  	v17 =	vld [tilespmem:s15+$0x19B20]  }
0xdb: {  	v18 =	vld [tilespmem:s15+$0x19B80]  }
0xdc: {  	v19 =	vld [tilespmem:s15+$0x19B30]  }
0xdd: {  	v20 =	vld [tilespmem:s15+$0x19B40]  }
0xde: {  	v21 =	vld [tilespmem:s15+$0x19B50]  }
0xdf: {  	v22 =	vld [tilespmem:s15+$0x19B60]  }
0xe0: {  	v23 =	vld [tilespmem:s15+$0x19B70]  }
0xe1: {  	v24 =	vld [tilespmem:s15+$0x19C00]  }
0xe2: {  	v25 =	vld [tilespmem:s15+$0x19C10]  }
0xe3: {  	v13 =	vld.idx.msk [tilespmem:v13+s4+$0x0], $0xffff  }
0xe4: {  	v26 =	vld [tilespmem:s15+$0x19C20]  }
0xe5: {  	v15 =	vld.idx.msk [tilespmem:v15+s4+$0x0], $0xffff  }
0xe6: {  	v58 =	vld [tilespmem:s15+$0x19C30]  }
0xe7: {  	vm8 =	veq.s32 v7, v0;
	vm9 =	veq.s32 v7, v1;
	vm0 =	veq.s32 v18, v0;
	v17 =	vld.idx.msk [tilespmem:v17+s4+$0x0], $0xffff  }
0xe8: {  	v60 =	vld [tilespmem:s15+$0x19C60];
	vm6 =	veq.s32 v8, v0;
	vm1 =	veq.s32 v18, v1;
	v56 =	vnsel vm0, $0x0, v13  }
0xe9: {  	vm10 =	veq.s32 v16, v0;
	v19 =	vld.idx.msk [tilespmem:v19+s4+$0x0], $0xffff;
	v13 =	vnsel vm1, $0x0, v13;
	v12 =	vadd.f32 v56, v12  }
0xea: {  	v61 =	vld [tilespmem:s15+$0x19C70];
	vm11 =	veq.s32 v16, v1;
	v11 =	vadd.f32 v13, v11;
	v13 =	vnsel vm10, $0x0, v15  }
0xeb: {  	vm12 =	veq.s32 v14, v0;
	v20 =	vld.idx.msk [tilespmem:v20+s4+$0x0], $0xffff;
	v12 =	vadd.f32 v13, v12;
	v13 =	vnsel vm11, $0x0, v15  }
0xec: {  	vm13 =	veq.s32 v14, v1;
	v14 =	vld [tilespmem:s15+$0x19C40];
	v11 =	vadd.f32 v13, v11;
	v13 =	vnsel vm12, $0x0, v17  }
0xed: {  	vm14 =	veq.s32 v10, v0;
	v21 =	vld.idx.msk [tilespmem:v21+s4+$0x0], $0xffff;
	v12 =	vadd.f32 v13, v12;
	v13 =	vnsel vm13, $0x0, v17  }
0xee: {  	vm15 =	veq.s32 v10, v1;
	v57 =	vld.idx.msk [tilespmem:v22+s4+$0x0], $0xffff;
	v10 =	vnsel vm14, $0x0, v19;
	v11 =	vadd.f32 v13, v11  }
0xef: {  	v62 =	vld [tilespmem:s15+$0x19CC0];
	vm4 =	veq.s32 v9, v0;
	v19 =	vnsel vm15, $0x0, v19;
	v10 =	vadd.f32 v10, v12  }
0xf0: {  	vm5 =	veq.s32 v9, v1;
	v9 =	vnsel vm4, $0x0, v20;
	v13 =	vld [tilespmem:s15+$0x19C50];
	v11 =	vadd.f32 v19, v11  }
0xf1: {  	vm7 =	veq.s32 v8, v1;
	v20 =	vnsel vm5, $0x0, v20;
	v15 =	vld.idx.msk [tilespmem:v23+s4+$0x0], $0xffff;
	v9 =	vadd.f32 v9, v10  }
0xf2: {  	v59 =	vld.idx.msk [tilespmem:v24+s4+$0x0], $0xffff;
	v8 =	vnsel vm6, $0x0, v21;
	v21 =	vnsel vm7, $0x0, v21;
	v11 =	vadd.f32 v20, v11  }
0xf3: {  	v7 =	vnsel vm8, $0x0, v57;
	v18 =	vnsel vm9, $0x0, v57;
	v12 =	vld.idx.msk [tilespmem:v25+s4+$0x0], $0xffff;
	v8 =	vadd.f32 v8, v9  }
0xf4: {  	vm14 =	veq.s32 v4, v0;
	vm15 =	veq.s32 v4, v1;
	v10 =	vld.idx.msk [tilespmem:v26+s4+$0x0], $0xffff;
	v11 =	vadd.f32 v21, v11  }
0xf5: {  	vm4 =	veq.s32 v3, v0;
	vm10 =	veq.s32 v6, v0;
	v9 =	vld.idx.msk [tilespmem:v58+s4+$0x0], $0xffff;
	v7 =	vadd.f32 v7, v8  }
0xf6: {  	s17 =	smin.u32 @!p1 s17, $0x943;
	vm11 =	veq.s32 v6, v1;
	v6 =	vnsel vm10, $0x0, v15;
	v8 =	vld.idx.msk [tilespmem:v14+s4+$0x0], $0xffff;
	v11 =	vadd.f32 v18, v11  }
0xf7: {  	s17 =	smul.u32 @!p1 $0x1400, s17;
	vm12 =	veq.s32 v5, v0;
	v15 =	vnsel vm11, $0x0, v15;
	v14 =	vld [tilespmem:s15+$0x19CD0];
	v6 =	vadd.f32 v6, v7  }
0xf8: {  	vm13 =	veq.s32 v5, v1;
	v5 =	vnsel vm12, $0x0, v59;
	v7 =	vld.idx.msk [tilespmem:v13+s4+$0x0], $0xffff;
	v11 =	vadd.f32 v15, v11  }
0xf9: {  	s17 =	sshrl.u32 @!p1 s17, $0x3;
	vm5 =	veq.s32 v3, v1;
	v13 =	vld [tilespmem:s15+$0x19CE0];
	v15 =	vnsel vm13, $0x0, v59;
	v5 =	vadd.f32 v5, v6  }
0xfa: {  	vm6 =	veq.s32 v2, v0;
	v4 =	vnsel vm14, $0x0, v12;
	v6 =	vadd.f32 v15, v11;
	v11 =	vld [tilespmem:s15+$0x19CF0];
	s15 =	sadd.s32 @!p1 s2, s17  }
0xfb: {  	s18 =	simm.s32 @!p1 $0x19B00;
	v63 =	vld.idx.msk [tilespmem:v60+s4+$0x0], $0xffff;
	vm7 =	veq.s32 v2, v1;
	v12 =	vnsel vm15, $0x0, v12;
	s17 =	simm.s32 @!p1 $0x0;
	v4 =	vadd.f32 v4, v5;
	s15 =	sadd.s32 @!p1 $0x14000, s15  }
0xfc: {  	vm8 =	veq.s32 v62, v0;
	v3 =	vnsel vm4, $0x0, v10;
	v15 =	vld.idx.msk [tilespmem:v61+s4+$0x0], $0xffff;
	v5 =	vadd.f32 v12, v6;
	[tilespmem:s18], [sflag:$0x2] =	stream.linear.gather @!p1 [hbm4b:s15+s17], $0x1400, $0x38  }
0xfd: {  	vm9 =	veq.s32 v62, v1;
	v6 =	vnsel vm5, $0x0, v10;
	v3 =	vadd.f32 v3, v4;
	_ =	swait.ge [sflag:s25], $0x1400  }
0xfe: {  	v2 =	vnsel vm6, $0x0, v9;
	vm10 =	veq.s32 v14, v0;
	v4 =	vadd.f32 v6, v5;
	[sflag:s25] =	ssyncset.done $0x0  }
0xff: {  	vm11 =	veq.s32 v14, v1;
	s15 =	simm.s32 $0x0;
	v5 =	vnsel vm7, $0x0, v9;
	v2 =	vadd.f32 v2, v3;
	[sflag:s25] =	ssyncadd.s32 $0xFFFFEC00  }
0x100: {  	v6 =	vnsel vm9, $0x0, v8;
	v3 =	vadd.f32 v5, v4;
	v5 =	vnsel vm8, $0x0, v8;
	v4 =	vld [tilespmem:s15+$0x1B0B0]  }
0x101: {  	v9 =	vnsel vm11, $0x0, v7;
	v8 =	vnsel vm10, $0x0, v7;
	v7 =	vld [tilespmem:s15+$0x1B080];
	v2 =	vadd.f32 v5, v2  }
0x102: {  	v5 =	vld [tilespmem:s15+$0x1B0A0];
	v3 =	vadd.f32 v6, v3  }
0x103: {  	vm12 =	veq.s32 v13, v0;
	v6 =	vld [tilespmem:s15+$0x1B090];
	v2 =	vadd.f32 v8, v2  }
0x104: {  	vm13 =	veq.s32 v13, v1;
	v8 =	vld [tilespmem:s15+$0x1AFF0];
	v3 =	vadd.f32 v9, v3;
	v9 =	vnsel vm12, $0x0, v63  }
0x105: {  	v10 =	vnsel vm13, $0x0, v63;
	vm14 =	veq.s32 v11, v0;
	v2 =	vadd.f32 v9, v2;
	v9 =	vld [tilespmem:s15+$0x1AFE0]  }
0x106: {  	s17 =	sor.u32 $0x40, s0;
	vm15 =	veq.s32 v11, v1;
	v11 =	vnsel vm14, $0x0, v15;
	v3 =	vadd.f32 v10, v3;
	v10 =	vld [tilespmem:s15+$0x1AFD0]  }
0x107: {  	p2 =	slt.u32 s17, $0x9C4;
	v12 =	vnsel vm15, $0x0, v15;
	v14 =	vadd.f32 v11, v2;
	v11 =	vld [tilespmem:s15+$0x1AFC0]  }
0x108: {  	s18 =	simm.s32 $0x800;
	v2 =	vpsel !p2, $0xFFFFFFFF, v1;
	v13 =	vadd.f32 v12, v3;
	v3 =	vpsel !p2, $0xFFFFFFFF, v0;
	v12 =	vld [tilespmem:s15+$0x1AFB0]  }
.LBB2_7:
0x109: {  	p2 =	sne.s32 s18, $0x4800;
	v15 =	vld [tilespmem:s15+$0x1AF00]  }
0x10a: {  	v16 =	vld [tilespmem:s15+$0x1AFA0]  }
0x10b: {  	v17 =	vld [tilespmem:s15+$0x1AF10]  }
0x10c: {  	v18 =	vld [tilespmem:s15+$0x1AF90]  }
0x10d: {  	v19 =	vld [tilespmem:s15+$0x1AF20]  }
0x10e: {  	v20 =	vld [tilespmem:s15+$0x1AF80]  }
0x10f: {  	v21 =	vld [tilespmem:s15+$0x1AF30]  }
0x110: {  	v22 =	vld [tilespmem:s15+$0x1AF40]  }
0x111: {  	v15 =	vld.idx.msk [tilespmem:v15+s4+$0x0], $0xffff  }
0x112: {  	v23 =	vld [tilespmem:s15+$0x1AF50]  }
0x113: {  	v17 =	vld.idx.msk [tilespmem:v17+s4+$0x0], $0xffff  }
0x114: {  	v24 =	vld [tilespmem:s15+$0x1AF60]  }
0x115: {  	v19 =	vld.idx.msk [tilespmem:v19+s4+$0x0], $0xffff  }
0x116: {  	vm0 =	veq.s32 v20, v3;
	vm1 =	veq.s32 v20, v2;
	v20 =	vld [tilespmem:s15+$0x1AF70]  }
0x117: {  	v25 =	vnsel vm0, $0x0, v15;
	v15 =	vnsel vm1, $0x0, v15;
	vm0 =	veq.s32 v18, v3;
	v21 =	vld.idx.msk [tilespmem:v21+s4+$0x0], $0xffff  }
0x118: {  	vm1 =	veq.s32 v18, v2;
	v14 =	vadd.f32 v25, v14;
	v13 =	vadd.f32 v15, v13;
	v15 =	vld [tilespmem:s15+$0x1B000]  }
0x119: {  	v18 =	vnsel vm0, $0x0, v17;
	v17 =	vnsel vm1, $0x0, v17;
	vm0 =	veq.s32 v16, v3;
	v22 =	vld.idx.msk [tilespmem:v22+s4+$0x0], $0xffff  }
0x11a: {  	vm1 =	veq.s32 v16, v2;
	v14 =	vadd.f32 v18, v14;
	v13 =	vadd.f32 v17, v13;
	v16 =	vld [tilespmem:s15+$0x1B010]  }
0x11b: {  	v17 =	vnsel vm0, $0x0, v19;
	v18 =	vnsel vm1, $0x0, v19;
	vm0 =	veq.s32 v12, v3;
	v19 =	vld.idx.msk [tilespmem:v23+s4+$0x0], $0xffff  }
0x11c: {  	vm1 =	veq.s32 v12, v2;
	v14 =	vadd.f32 v17, v14;
	v13 =	vadd.f32 v18, v13;
	v12 =	vld [tilespmem:s15+$0x1B020]  }
0x11d: {  	v17 =	vnsel vm0, $0x0, v21;
	v18 =	vnsel vm1, $0x0, v21;
	vm0 =	veq.s32 v11, v3;
	v21 =	vld.idx.msk [tilespmem:v24+s4+$0x0], $0xffff  }
0x11e: {  	vm1 =	veq.s32 v11, v2;
	v14 =	vadd.f32 v17, v14;
	v13 =	vadd.f32 v18, v13;
	v11 =	vld [tilespmem:s15+$0x1B030]  }
0x11f: {  	v17 =	vnsel vm0, $0x0, v22;
	v18 =	vnsel vm1, $0x0, v22;
	vm0 =	veq.s32 v10, v3;
	v20 =	vld.idx.msk [tilespmem:v20+s4+$0x0], $0xffff  }
0x120: {  	vm1 =	veq.s32 v10, v2;
	v14 =	vadd.f32 v17, v14;
	v13 =	vadd.f32 v18, v13;
	v10 =	vld [tilespmem:s15+$0x1B040]  }
0x121: {  	v17 =	vnsel vm0, $0x0, v19;
	v18 =	vnsel vm1, $0x0, v19;
	vm0 =	veq.s32 v9, v3;
	v15 =	vld.idx.msk [tilespmem:v15+s4+$0x0], $0xffff  }
0x122: {  	vm1 =	veq.s32 v9, v2;
	v14 =	vadd.f32 v17, v14;
	v13 =	vadd.f32 v18, v13;
	v9 =	vld [tilespmem:s15+$0x1B050]  }
0x123: {  	v17 =	vnsel vm0, $0x0, v21;
	v18 =	vnsel vm1, $0x0, v21;
	vm0 =	veq.s32 v8, v3;
	v16 =	vld.idx.msk [tilespmem:v16+s4+$0x0], $0xffff  }
0x124: {  	vm1 =	veq.s32 v8, v2;
	v14 =	vadd.f32 v17, v14;
	v13 =	vadd.f32 v18, v13;
	v8 =	vld [tilespmem:s15+$0x1B060]  }
0x125: {  	v17 =	vnsel vm0, $0x0, v20;
	v18 =	vnsel vm1, $0x0, v20;
	vm0 =	veq.s32 v7, v3;
	v12 =	vld.idx.msk [tilespmem:v12+s4+$0x0], $0xffff  }
0x126: {  	vm1 =	veq.s32 v7, v2;
	v14 =	vadd.f32 v17, v14;
	v13 =	vadd.f32 v18, v13;
	v7 =	vld [tilespmem:s15+$0x1B070]  }
0x127: {  	v17 =	vnsel vm0, $0x0, v15;
	v15 =	vnsel vm1, $0x0, v15;
	vm0 =	veq.s32 v6, v3;
	v11 =	vld.idx.msk [tilespmem:v11+s4+$0x0], $0xffff  }
0x128: {  	vm1 =	veq.s32 v6, v2;
	v14 =	vadd.f32 v17, v14;
	v13 =	vadd.f32 v15, v13;
	v6 =	vld [tilespmem:s15+$0x1B0C0]  }
0x129: {  	v15 =	vnsel vm0, $0x0, v16;
	v16 =	vnsel vm1, $0x0, v16;
	vm0 =	veq.s32 v5, v3;
	v10 =	vld.idx.msk [tilespmem:v10+s4+$0x0], $0xffff  }
0x12a: {  	vm1 =	veq.s32 v5, v2;
	v14 =	vadd.f32 v15, v14;
	v13 =	vadd.f32 v16, v13;
	v5 =	vld [tilespmem:s15+$0x1B0D0]  }
0x12b: {  	v15 =	vnsel vm0, $0x0, v12;
	v12 =	vnsel vm1, $0x0, v12;
	vm0 =	veq.s32 v4, v3;
	v9 =	vld.idx.msk [tilespmem:v9+s4+$0x0], $0xffff  }
0x12c: {  	vm1 =	veq.s32 v4, v2;
	v14 =	vadd.f32 v15, v14;
	v12 =	vadd.f32 v12, v13;
	v13 =	vld [tilespmem:s15+$0x1B0E0]  }
0x12d: {  	v4 =	vnsel vm0, $0x0, v11;
	v11 =	vnsel vm1, $0x0, v11;
	vm0 =	veq.s32 v6, v3;
	v8 =	vld.idx.msk [tilespmem:v8+s4+$0x0], $0xffff  }
0x12e: {  	v14 =	vadd.f32 v4, v14;
	v11 =	vadd.f32 v11, v12;
	vm1 =	veq.s32 v6, v2;
	v12 =	vld [tilespmem:s15+$0x1B0F0]  }
0x12f: {  	s15 =	sshra.s32 s18, $0x2;
	v6 =	vnsel vm0, $0x0, v10;
	v10 =	vnsel vm1, $0x0, v10;
	vm0 =	veq.s32 v5, v3;
	v15 =	vld.idx.msk [tilespmem:v7+s4+$0x0], $0xffff  }
0x130: {  	v7 =	vadd.f32 v6, v14;
	v10 =	vadd.f32 v10, v11;
	vm1 =	veq.s32 v5, v2;
	v4 =	vld [tilespmem:s15+$0x1B0B0]  }
0x131: {  	v11 =	vnsel vm0, $0x0, v9;
	v9 =	vnsel vm1, $0x0, v9;
	v5 =	vld [tilespmem:s15+$0x1B0A0];
	vm0 =	veq.s32 v13, v3  }
0x132: {  	v11 =	vadd.f32 v11, v7;
	v9 =	vadd.f32 v9, v10;
	vm1 =	veq.s32 v13, v2;
	v6 =	vld [tilespmem:s15+$0x1B090]  }
0x133: {  	v10 =	vnsel vm0, $0x0, v8;
	v13 =	vnsel vm1, $0x0, v8;
	v7 =	vld [tilespmem:s15+$0x1B080];
	vm0 =	veq.s32 v12, v3  }
.Ltmp4:
0x134: {  	v11 =	vadd.f32 v10, v11;
	v13 =	vadd.f32 v13, v9;
	vm1 =	veq.s32 v12, v2;
	v8 =	vld [tilespmem:s15+$0x1AFF0];
	(pc) =	sbr.rel @p2 .LBB2_7-.Ltmp4, $4  }
0x135: {  	v12 =	vnsel vm0, $0x0, v15;
	v15 =	vnsel vm1, $0x0, v15;
	v9 =	vld [tilespmem:s15+$0x1AFE0]  }
0x136: {  	v14 =	vadd.f32 v12, v11;
	v13 =	vadd.f32 v15, v13;
	v10 =	vld [tilespmem:s15+$0x1AFD0]  }
0x137: {  	v11 =	vld [tilespmem:s15+$0x1AFC0]  }
0x138: {  	s18 =	sadd.s32 $0x800, s18;
	v12 =	vld [tilespmem:s15+$0x1AFB0]  }
0x139: {  	v15 =	vld [tilespmem:s15+$0x1AF00]  }
0x13a: {  	v16 =	vld [tilespmem:s15+$0x1AFA0]  }
0x13b: {  	v17 =	vld [tilespmem:s15+$0x1AF10]  }
0x13c: {  	v18 =	vld [tilespmem:s15+$0x1AF90]  }
0x13d: {  	v19 =	vld [tilespmem:s15+$0x1AF20]  }
0x13e: {  	v20 =	vld [tilespmem:s15+$0x1AF80]  }
0x13f: {  	v21 =	vld [tilespmem:s15+$0x1AF30]  }
0x140: {  	v22 =	vld [tilespmem:s15+$0x1AF40]  }
0x141: {  	v23 =	vld [tilespmem:s15+$0x1AF50]  }
0x142: {  	v24 =	vld [tilespmem:s15+$0x1AF60]  }
0x143: {  	v25 =	vld [tilespmem:s15+$0x1AF70]  }
0x144: {  	v26 =	vld [tilespmem:s15+$0x1B000]  }
0x145: {  	v27 =	vld [tilespmem:s15+$0x1B010]  }
0x146: {  	v15 =	vld.idx.msk [tilespmem:v15+s4+$0x0], $0xffff  }
0x147: {  	v28 =	vld [tilespmem:s15+$0x1B020]  }
0x148: {  	v17 =	vld.idx.msk [tilespmem:v17+s4+$0x0], $0xffff  }
0x149: {  	v53 =	vld [tilespmem:s15+$0x1B030]  }
0x14a: {  	vm0 =	veq.s32 v20, v3;
	v19 =	vld.idx.msk [tilespmem:v19+s4+$0x0], $0xffff  }
0x14b: {  	v55 =	vld [tilespmem:s15+$0x1B040];
	vm1 =	veq.s32 v20, v2;
	v51 =	vnsel vm0, $0x0, v15  }
0x14c: {  	vm10 =	veq.s32 v18, v3;
	v21 =	vld.idx.msk [tilespmem:v21+s4+$0x0], $0xffff;
	v15 =	vnsel vm1, $0x0, v15;
	v14 =	vadd.f32 v51, v14  }
0x14d: {  	v57 =	vld [tilespmem:s15+$0x1B060];
	vm11 =	veq.s32 v18, v2;
	v13 =	vadd.f32 v15, v13;
	v15 =	vnsel vm10, $0x0, v17  }
0x14e: {  	vm12 =	veq.s32 v16, v3;
	v22 =	vld.idx.msk [tilespmem:v22+s4+$0x0], $0xffff;
	v14 =	vadd.f32 v15, v14;
	v15 =	vnsel vm11, $0x0, v17  }
0x14f: {  	v58 =	vld [tilespmem:s15+$0x1B070];
	vm13 =	veq.s32 v16, v2;
	v13 =	vadd.f32 v15, v13;
	v15 =	vnsel vm12, $0x0, v19  }
0x150: {  	vm14 =	veq.s32 v12, v3;
	v23 =	vld.idx.msk [tilespmem:v23+s4+$0x0], $0xffff;
	v14 =	vadd.f32 v15, v14;
	v15 =	vnsel vm13, $0x0, v19  }
0x151: {  	v59 =	vld [tilespmem:s15+$0x1B0C0];
	vm15 =	veq.s32 v12, v2;
	v12 =	vnsel vm14, $0x0, v21;
	v13 =	vadd.f32 v15, v13  }
0x152: {  	vm4 =	veq.s32 v11, v3;
	v52 =	vld.idx.msk [tilespmem:v24+s4+$0x0], $0xffff;
	v21 =	vnsel vm15, $0x0, v21;
	v12 =	vadd.f32 v12, v14  }
0x153: {  	vm5 =	veq.s32 v11, v2;
	v11 =	vnsel vm4, $0x0, v22;
	v15 =	vld [tilespmem:s15+$0x1B050];
	v13 =	vadd.f32 v21, v13  }
0x154: {  	vm6 =	veq.s32 v10, v3;
	v54 =	vld.idx.msk [tilespmem:v25+s4+$0x0], $0xffff;
	v22 =	vnsel vm5, $0x0, v22;
	v11 =	vadd.f32 v11, v12  }
0x155: {  	v60 =	vld [tilespmem:s15+$0x1B0D0];
	vm7 =	veq.s32 v10, v2;
	v10 =	vnsel vm6, $0x0, v23;
	v13 =	vadd.f32 v22, v13  }
0x156: {  	vm8 =	veq.s32 v9, v3;
	v56 =	vld.idx.msk [tilespmem:v26+s4+$0x0], $0xffff;
	v23 =	vnsel vm7, $0x0, v23;
	v10 =	vadd.f32 v10, v11  }
0x157: {  	vm9 =	veq.s32 v9, v2;
	v62 =	vld.idx.msk [tilespmem:v57+s4+$0x0], $0xffff;
	v9 =	vnsel vm8, $0x0, v52;
	v13 =	vadd.f32 v23, v13  }
0x158: {  	v20 =	vnsel vm9, $0x0, v52;
	vm10 =	veq.s32 v8, v3;
	v14 =	vld.idx.msk [tilespmem:v27+s4+$0x0], $0xffff;
	v9 =	vadd.f32 v9, v10  }
0x159: {  	s17 =	smin.u32 @!p1 s17, $0x943;
	vm11 =	veq.s32 v8, v2;
	v8 =	vnsel vm10, $0x0, v54;
	v12 =	vld.idx.msk [tilespmem:v28+s4+$0x0], $0xffff;
	v13 =	vadd.f32 v20, v13  }
0x15a: {  	s17 =	smul.u32 @!p1 $0x1400, s17;
	v17 =	vnsel vm11, $0x0, v54;
	vm12 =	veq.s32 v7, v3;
	v11 =	vld.idx.msk [tilespmem:v53+s4+$0x0], $0xffff;
	v8 =	vadd.f32 v8, v9  }
0x15b: {  	vm13 =	veq.s32 v7, v2;
	v7 =	vnsel vm12, $0x0, v56;
	v9 =	vld.idx.msk [tilespmem:v15+s4+$0x0], $0xffff;
	v13 =	vadd.f32 v17, v13  }
0x15c: {  	s17 =	sshrl.u32 @!p1 s17, $0x3;
	vm14 =	veq.s32 v6, v3;
	v61 =	vnsel vm13, $0x0, v56;
	v15 =	vld [tilespmem:s15+$0x1B0E0];
	v7 =	vadd.f32 v7, v8  }
0x15d: {  	vm15 =	veq.s32 v6, v2;
	v6 =	vnsel vm14, $0x0, v14;
	v8 =	vadd.f32 v61, v13;
	v13 =	vld [tilespmem:s15+$0x1B0F0];
	s15 =	sadd.s32 @!p1 s2, s17  }
0x15e: {  	s18 =	simm.s32 @!p1 $0x1AF00;
	vm4 =	veq.s32 v5, v3;
	v14 =	vnsel vm15, $0x0, v14;
	v10 =	vld.idx.msk [tilespmem:v55+s4+$0x0], $0xffff;
	s17 =	simm.s32 @!p1 $0x0;
	v6 =	vadd.f32 v6, v7;
	s15 =	sadd.s32 @!p1 $0x14000, s15  }
0x15f: {  	v63 =	vld.idx.msk [tilespmem:v58+s4+$0x0], $0xffff;
	vm5 =	veq.s32 v5, v2;
	v5 =	vnsel vm4, $0x0, v12;
	v7 =	vadd.f32 v14, v8;
	[tilespmem:s18], [sflag:$0x3] =	stream.linear.gather @!p1 [hbm4b:s15+s17], $0x1400, $0x38  }
0x160: {  	vm6 =	veq.s32 v4, v3;
	v8 =	vnsel vm5, $0x0, v12;
	v5 =	vadd.f32 v5, v6;
	_ =	swait.ge [sflag:s26], $0x1400  }
0x161: {  	vm7 =	veq.s32 v4, v2;
	v4 =	vnsel vm6, $0x0, v11;
	v6 =	vadd.f32 v8, v7;
	[sflag:s26] =	ssyncset.done $0x0  }
0x162: {  	vm8 =	veq.s32 v59, v3;
	s15 =	simm.s32 $0x0;
	v7 =	vnsel vm7, $0x0, v11;
	v5 =	vadd.f32 v4, v5;
	[sflag:s26] =	ssyncadd.s32 $0xFFFFEC00  }
0x163: {  	vm9 =	veq.s32 v59, v2;
	v6 =	vadd.f32 v7, v6;
	v7 =	vnsel vm8, $0x0, v10;
	v4 =	vld [tilespmem:s15+$0x1C4B0]  }
0x164: {  	vm10 =	veq.s32 v60, v3;
	v8 =	vnsel vm9, $0x0, v10;
	v7 =	vadd.f32 v7, v5;
	v5 =	vld [tilespmem:s15+$0x1C4A0]  }
0x165: {  	vm11 =	veq.s32 v60, v2;
	v10 =	vnsel vm10, $0x0, v9;
	v8 =	vadd.f32 v8, v6;
	v6 =	vld [tilespmem:s15+$0x1C490]  }
0x166: {  	vm12 =	veq.s32 v15, v3;
	v9 =	vnsel vm11, $0x0, v9;
	v10 =	vadd.f32 v10, v7;
	v7 =	vld [tilespmem:s15+$0x1C480]  }
0x167: {  	vm13 =	veq.s32 v15, v2;
	v11 =	vadd.f32 v9, v8;
	v9 =	vnsel vm12, $0x0, v62;
	v8 =	vld [tilespmem:s15+$0x1C3F0]  }
0x168: {  	v12 =	vnsel vm13, $0x0, v62;
	vm14 =	veq.s32 v13, v3;
	v3 =	vadd.f32 v9, v10;
	v9 =	vld [tilespmem:s15+$0x1C3E0]  }
0x169: {  	s0 =	sor.u32 $0x60, s0;
	vm15 =	veq.s32 v13, v2;
	v2 =	vnsel vm14, $0x0, v63;
	v10 =	vld [tilespmem:s15+$0x1C3D0];
	v12 =	vadd.f32 v12, v11  }
0x16a: {  	p2 =	slt.u32 s0, $0x9C4;
	v14 =	vnsel vm15, $0x0, v63;
	v11 =	vld [tilespmem:s15+$0x1C3C0];
	v13 =	vadd.f32 v2, v3  }
0x16b: {  	s17 =	simm.s32 $0x800;
	v3 =	vpsel !p2, $0xFFFFFFFF, v0;
	v2 =	vpsel !p2, $0xFFFFFFFF, v1;
	v14 =	vadd.f32 v14, v12;
	v12 =	vld [tilespmem:s15+$0x1C3B0]  }
.LBB2_9:
0x16c: {  	p2 =	sne.s32 s17, $0x4800;
	v15 =	vld [tilespmem:s15+$0x1C300]  }
0x16d: {  	v16 =	vld [tilespmem:s15+$0x1C3A0]  }
0x16e: {  	v17 =	vld [tilespmem:s15+$0x1C310]  }
0x16f: {  	v18 =	vld [tilespmem:s15+$0x1C390]  }
0x170: {  	v19 =	vld [tilespmem:s15+$0x1C320]  }
0x171: {  	v20 =	vld [tilespmem:s15+$0x1C380]  }
0x172: {  	v21 =	vld [tilespmem:s15+$0x1C330]  }
0x173: {  	v22 =	vld [tilespmem:s15+$0x1C340]  }
0x174: {  	v15 =	vld.idx.msk [tilespmem:v15+s4+$0x0], $0xffff  }
0x175: {  	v23 =	vld [tilespmem:s15+$0x1C350]  }
0x176: {  	v17 =	vld.idx.msk [tilespmem:v17+s4+$0x0], $0xffff  }
0x177: {  	v24 =	vld [tilespmem:s15+$0x1C360]  }
0x178: {  	v19 =	vld.idx.msk [tilespmem:v19+s4+$0x0], $0xffff  }
0x179: {  	vm0 =	veq.s32 v20, v3;
	vm1 =	veq.s32 v20, v2;
	v20 =	vld [tilespmem:s15+$0x1C370]  }
0x17a: {  	v25 =	vnsel vm0, $0x0, v15;
	v15 =	vnsel vm1, $0x0, v15;
	vm0 =	veq.s32 v18, v3;
	v21 =	vld.idx.msk [tilespmem:v21+s4+$0x0], $0xffff  }
0x17b: {  	vm1 =	veq.s32 v18, v2;
	v13 =	vadd.f32 v25, v13;
	v14 =	vadd.f32 v15, v14;
	v15 =	vld [tilespmem:s15+$0x1C400]  }
0x17c: {  	v18 =	vnsel vm0, $0x0, v17;
	v17 =	vnsel vm1, $0x0, v17;
	vm0 =	veq.s32 v16, v3;
	v22 =	vld.idx.msk [tilespmem:v22+s4+$0x0], $0xffff  }
0x17d: {  	vm1 =	veq.s32 v16, v2;
	v13 =	vadd.f32 v18, v13;
	v14 =	vadd.f32 v17, v14;
	v16 =	vld [tilespmem:s15+$0x1C410]  }
0x17e: {  	v17 =	vnsel vm0, $0x0, v19;
	v18 =	vnsel vm1, $0x0, v19;
	vm0 =	veq.s32 v12, v3;
	v19 =	vld.idx.msk [tilespmem:v23+s4+$0x0], $0xffff  }
0x17f: {  	vm1 =	veq.s32 v12, v2;
	v13 =	vadd.f32 v17, v13;
	v14 =	vadd.f32 v18, v14;
	v12 =	vld [tilespmem:s15+$0x1C420]  }
0x180: {  	v17 =	vnsel vm0, $0x0, v21;
	v18 =	vnsel vm1, $0x0, v21;
	vm0 =	veq.s32 v11, v3;
	v21 =	vld.idx.msk [tilespmem:v24+s4+$0x0], $0xffff  }
0x181: {  	vm1 =	veq.s32 v11, v2;
	v13 =	vadd.f32 v17, v13;
	v14 =	vadd.f32 v18, v14;
	v11 =	vld [tilespmem:s15+$0x1C430]  }
0x182: {  	v17 =	vnsel vm0, $0x0, v22;
	v18 =	vnsel vm1, $0x0, v22;
	vm0 =	veq.s32 v10, v3;
	v20 =	vld.idx.msk [tilespmem:v20+s4+$0x0], $0xffff  }
0x183: {  	vm1 =	veq.s32 v10, v2;
	v13 =	vadd.f32 v17, v13;
	v14 =	vadd.f32 v18, v14;
	v10 =	vld [tilespmem:s15+$0x1C440]  }
0x184: {  	v17 =	vnsel vm0, $0x0, v19;
	v18 =	vnsel vm1, $0x0, v19;
	vm0 =	veq.s32 v9, v3;
	v15 =	vld.idx.msk [tilespmem:v15+s4+$0x0], $0xffff  }
0x185: {  	vm1 =	veq.s32 v9, v2;
	v13 =	vadd.f32 v17, v13;
	v14 =	vadd.f32 v18, v14;
	v9 =	vld [tilespmem:s15+$0x1C450]  }
0x186: {  	v17 =	vnsel vm0, $0x0, v21;
	v18 =	vnsel vm1, $0x0, v21;
	vm0 =	veq.s32 v8, v3;
	v16 =	vld.idx.msk [tilespmem:v16+s4+$0x0], $0xffff  }
0x187: {  	vm1 =	veq.s32 v8, v2;
	v13 =	vadd.f32 v17, v13;
	v14 =	vadd.f32 v18, v14;
	v8 =	vld [tilespmem:s15+$0x1C460]  }
0x188: {  	v17 =	vnsel vm0, $0x0, v20;
	v18 =	vnsel vm1, $0x0, v20;
	vm0 =	veq.s32 v7, v3;
	v12 =	vld.idx.msk [tilespmem:v12+s4+$0x0], $0xffff  }
0x189: {  	vm1 =	veq.s32 v7, v2;
	v13 =	vadd.f32 v17, v13;
	v14 =	vadd.f32 v18, v14;
	v7 =	vld [tilespmem:s15+$0x1C470]  }
0x18a: {  	v17 =	vnsel vm0, $0x0, v15;
	v15 =	vnsel vm1, $0x0, v15;
	vm0 =	veq.s32 v6, v3;
	v11 =	vld.idx.msk [tilespmem:v11+s4+$0x0], $0xffff  }
0x18b: {  	vm1 =	veq.s32 v6, v2;
	v13 =	vadd.f32 v17, v13;
	v14 =	vadd.f32 v15, v14;
	v6 =	vld [tilespmem:s15+$0x1C4C0]  }
0x18c: {  	v15 =	vnsel vm0, $0x0, v16;
	v16 =	vnsel vm1, $0x0, v16;
	vm0 =	veq.s32 v5, v3;
	v10 =	vld.idx.msk [tilespmem:v10+s4+$0x0], $0xffff  }
0x18d: {  	vm1 =	veq.s32 v5, v2;
	v13 =	vadd.f32 v15, v13;
	v14 =	vadd.f32 v16, v14;
	v5 =	vld [tilespmem:s15+$0x1C4D0]  }
0x18e: {  	v15 =	vnsel vm0, $0x0, v12;
	v12 =	vnsel vm1, $0x0, v12;
	vm0 =	veq.s32 v4, v3;
	v9 =	vld.idx.msk [tilespmem:v9+s4+$0x0], $0xffff  }
0x18f: {  	vm1 =	veq.s32 v4, v2;
	v13 =	vadd.f32 v15, v13;
	v12 =	vadd.f32 v12, v14;
	v14 =	vld [tilespmem:s15+$0x1C4E0]  }
0x190: {  	v4 =	vnsel vm0, $0x0, v11;
	v11 =	vnsel vm1, $0x0, v11;
	vm0 =	veq.s32 v6, v3;
	v8 =	vld.idx.msk [tilespmem:v8+s4+$0x0], $0xffff  }
0x191: {  	v13 =	vadd.f32 v4, v13;
	v11 =	vadd.f32 v11, v12;
	vm1 =	veq.s32 v6, v2;
	v12 =	vld [tilespmem:s15+$0x1C4F0]  }
0x192: {  	s15 =	sshra.s32 s17, $0x2;
	v6 =	vnsel vm0, $0x0, v10;
	v10 =	vnsel vm1, $0x0, v10;
	vm0 =	veq.s32 v5, v3;
	v15 =	vld.idx.msk [tilespmem:v7+s4+$0x0], $0xffff  }
0x193: {  	v7 =	vadd.f32 v6, v13;
	v10 =	vadd.f32 v10, v11;
	vm1 =	veq.s32 v5, v2;
	v4 =	vld [tilespmem:s15+$0x1C4B0]  }
0x194: {  	v11 =	vnsel vm0, $0x0, v9;
	v9 =	vnsel vm1, $0x0, v9;
	v5 =	vld [tilespmem:s15+$0x1C4A0];
	vm0 =	veq.s32 v14, v3  }
0x195: {  	v11 =	vadd.f32 v11, v7;
	v9 =	vadd.f32 v9, v10;
	vm1 =	veq.s32 v14, v2;
	v6 =	vld [tilespmem:s15+$0x1C490]  }
0x196: {  	v10 =	vnsel vm0, $0x0, v8;
	v13 =	vnsel vm1, $0x0, v8;
	v7 =	vld [tilespmem:s15+$0x1C480];
	vm0 =	veq.s32 v12, v3  }
.Ltmp5:
0x197: {  	v11 =	vadd.f32 v10, v11;
	v14 =	vadd.f32 v13, v9;
	vm1 =	veq.s32 v12, v2;
	v8 =	vld [tilespmem:s15+$0x1C3F0];
	(pc) =	sbr.rel @p2 .LBB2_9-.Ltmp5, $4  }
0x198: {  	v12 =	vnsel vm0, $0x0, v15;
	v15 =	vnsel vm1, $0x0, v15;
	v9 =	vld [tilespmem:s15+$0x1C3E0]  }
0x199: {  	v13 =	vadd.f32 v12, v11;
	v14 =	vadd.f32 v15, v14;
	v10 =	vld [tilespmem:s15+$0x1C3D0]  }
0x19a: {  	v11 =	vld [tilespmem:s15+$0x1C3C0]  }
0x19b: {  	s17 =	sadd.s32 $0x800, s17;
	v12 =	vld [tilespmem:s15+$0x1C3B0]  }
0x19c: {  	v15 =	vld [tilespmem:s15+$0x1C300]  }
0x19d: {  	v16 =	vld [tilespmem:s15+$0x1C3A0]  }
0x19e: {  	v17 =	vld [tilespmem:s15+$0x1C310]  }
0x19f: {  	v18 =	vld [tilespmem:s15+$0x1C390]  }
0x1a0: {  	v19 =	vld [tilespmem:s15+$0x1C320]  }
0x1a1: {  	v20 =	vld [tilespmem:s15+$0x1C380]  }
0x1a2: {  	v21 =	vld [tilespmem:s15+$0x1C330]  }
0x1a3: {  	v22 =	vld [tilespmem:s15+$0x1C340]  }
0x1a4: {  	v15 =	vld.idx.msk [tilespmem:v15+s4+$0x0], $0xffff  }
0x1a5: {  	v23 =	vld [tilespmem:s15+$0x1C350]  }
0x1a6: {  	v17 =	vld.idx.msk [tilespmem:v17+s4+$0x0], $0xffff  }
0x1a7: {  	v24 =	vld [tilespmem:s15+$0x1C360]  }
0x1a8: {  	vm0 =	veq.s32 v20, v3;
	v19 =	vld.idx.msk [tilespmem:v19+s4+$0x0], $0xffff  }
0x1a9: {  	v37 =	vld [tilespmem:s15+$0x1C370];
	vm1 =	veq.s32 v20, v2;
	v25 =	vnsel vm0, $0x0, v15  }
0x1aa: {  	vm10 =	veq.s32 v18, v3;
	v21 =	vld.idx.msk [tilespmem:v21+s4+$0x0], $0xffff;
	v15 =	vnsel vm1, $0x0, v15;
	v13 =	vadd.f32 v25, v13  }
0x1ab: {  	vm11 =	veq.s32 v18, v2;
	v22 =	vld.idx.msk [tilespmem:v22+s4+$0x0], $0xffff;
	v38 =	vnsel vm10, $0x0, v17;
	v14 =	vadd.f32 v15, v14  }
0x1ac: {  	vm12 =	veq.s32 v16, v3;
	v17 =	vnsel vm11, $0x0, v17;
	v15 =	vld [tilespmem:s15+$0x1C400];
	v13 =	vadd.f32 v38, v13  }
0x1ad: {  	v39 =	vld [tilespmem:s15+$0x1C410];
	vm13 =	veq.s32 v16, v2;
	v40 =	vnsel vm12, $0x0, v19;
	v14 =	vadd.f32 v17, v14  }
0x1ae: {  	vm14 =	veq.s32 v12, v3;
	v42 =	vld.idx.msk [tilespmem:v23+s4+$0x0], $0xffff;
	v41 =	vnsel vm13, $0x0, v19;
	v13 =	vadd.f32 v40, v13  }
0x1af: {  	vm15 =	veq.s32 v12, v2;
	v12 =	vld [tilespmem:s15+$0x1C420];
	v43 =	vnsel vm14, $0x0, v21;
	v14 =	vadd.f32 v41, v14  }
0x1b0: {  	vm4 =	veq.s32 v11, v3;
	v45 =	vld.idx.msk [tilespmem:v24+s4+$0x0], $0xffff;
	v44 =	vnsel vm15, $0x0, v21;
	v13 =	vadd.f32 v43, v13  }
0x1b1: {  	vm5 =	veq.s32 v11, v2;
	v11 =	vld [tilespmem:s15+$0x1C430];
	v46 =	vnsel vm4, $0x0, v22;
	v14 =	vadd.f32 v44, v14  }
0x1b2: {  	vm6 =	veq.s32 v10, v3;
	v20 =	vld.idx.msk [tilespmem:v37+s4+$0x0], $0xffff;
	v47 =	vnsel vm5, $0x0, v22;
	v13 =	vadd.f32 v46, v13  }
0x1b3: {  	vm7 =	veq.s32 v10, v2;
	v10 =	vld [tilespmem:s15+$0x1C440];
	v48 =	vnsel vm6, $0x0, v42;
	v14 =	vadd.f32 v47, v14  }
0x1b4: {  	vm8 =	veq.s32 v9, v3;
	v49 =	vnsel vm7, $0x0, v42;
	v15 =	vld.idx.msk [tilespmem:v15+s4+$0x0], $0xffff;
	v13 =	vadd.f32 v48, v13  }
0x1b5: {  	vm9 =	veq.s32 v9, v2;
	v9 =	vld [tilespmem:s15+$0x1C450];
	v50 =	vnsel vm8, $0x0, v45;
	v14 =	vadd.f32 v49, v14  }
0x1b6: {  	v16 =	vld.idx.msk [tilespmem:v39+s4+$0x0], $0xffff;
	v51 =	vnsel vm9, $0x0, v45;
	vm10 =	veq.s32 v8, v3;
	v13 =	vadd.f32 v50, v13  }
0x1b7: {  	v12 =	vld.idx.msk [tilespmem:v12+s4+$0x0], $0xffff;
	vm11 =	veq.s32 v8, v2;
	v52 =	vnsel vm10, $0x0, v20;
	v14 =	vadd.f32 v51, v14  }
0x1b8: {  	v8 =	vld [tilespmem:s15+$0x1C460];
	vm12 =	veq.s32 v7, v3;
	v53 =	vnsel vm11, $0x0, v20;
	v13 =	vadd.f32 v52, v13  }
0x1b9: {  	v54 =	vld [tilespmem:s15+$0x1C470];
	vm13 =	veq.s32 v7, v2;
	v55 =	vnsel vm12, $0x0, v15;
	v14 =	vadd.f32 v53, v14  }
0x1ba: {  	v11 =	vld.idx.msk [tilespmem:v11+s4+$0x0], $0xffff;
	vm14 =	veq.s32 v6, v3;
	v15 =	vnsel vm13, $0x0, v15;
	v13 =	vadd.f32 v55, v13  }
0x1bb: {  	v56 =	vld [tilespmem:s15+$0x1C4C0];
	vm15 =	veq.s32 v6, v2;
	v14 =	vadd.f32 v15, v14;
	v15 =	vnsel vm14, $0x0, v16  }
0x1bc: {  	v10 =	vld.idx.msk [tilespmem:v10+s4+$0x0], $0xffff;
	vm4 =	veq.s32 v5, v3;
	v16 =	vnsel vm15, $0x0, v16;
	v13 =	vadd.f32 v15, v13  }
0x1bd: {  	v57 =	vld [tilespmem:s15+$0x1C4D0];
	vm5 =	veq.s32 v5, v2;
	v14 =	vadd.f32 v16, v14;
	v15 =	vnsel vm4, $0x0, v12  }
0x1be: {  	v9 =	vld.idx.msk [tilespmem:v9+s4+$0x0], $0xffff;
	vm6 =	veq.s32 v4, v3;
	v12 =	vnsel vm5, $0x0, v12;
	v13 =	vadd.f32 v15, v13  }
0x1bf: {  	v58 =	vld [tilespmem:s15+$0x1C4E0];
	vm7 =	veq.s32 v4, v2;
	v12 =	vadd.f32 v12, v14;
	v14 =	vnsel vm6, $0x0, v11  }
0x1c0: {  	vm8 =	veq.s32 v56, v3;
	v8 =	vld.idx.msk [tilespmem:v8+s4+$0x0], $0xffff;
	v11 =	vnsel vm7, $0x0, v11;
	v13 =	vadd.f32 v14, v13  }
0x1c1: {  	v59 =	vld [tilespmem:s15+$0x1C4F0];
	vm9 =	veq.s32 v56, v2;
	v11 =	vadd.f32 v11, v12;
	v12 =	vnsel vm8, $0x0, v10  }
0x1c2: {  	v7 =	vld.idx.msk [tilespmem:v54+s4+$0x0], $0xffff;
	vm10 =	veq.s32 v57, v3;
	v10 =	vnsel vm9, $0x0, v10;
	v12 =	vadd.f32 v12, v13  }
0x1c3: {  	vm11 =	veq.s32 v57, v2;
	v60 =	vnsel vm10, $0x0, v9;
	v10 =	vadd.f32 v10, v11  }
0x1c4: {  	v9 =	vnsel vm11, $0x0, v9;
	vm12 =	veq.s32 v58, v3;
	v5 =	vadd.f32 v60, v12  }
.Ltmp6:
0x1c5: {  	vm13 =	veq.s32 v58, v2;
	v61 =	vnsel vm12, $0x0, v8;
	v9 =	vadd.f32 v9, v10;
	(pc) =	sbr.rel @p1 .LBB2_12-.Ltmp6, $4  }
0x1c6: {  	v8 =	vnsel vm13, $0x0, v8;
	vm14 =	veq.s32 v59, v3;
	v3 =	vadd.f32 v61, v5  }
0x1c7: {  	vm15 =	veq.s32 v59, v2;
	v2 =	vnsel vm14, $0x0, v7;
	v62 =	vadd.f32 v8, v9  }
0x1c8: {  	v63 =	vnsel vm15, $0x0, v7;
	v12 =	vadd.f32 v2, v3  }
0x1c9: {  	v11 =	vadd.f32 v63, v62  }
0x1ca: {  	s0 =	smin.u32 s0, $0x943  }
0x1cb: {  	s0 =	smul.u32 $0x1400, s0  }
.Ltmp7:
0x1cc: {  	_ = 	snop;
	(pc) =	sbr.rel .LBB2_2-.Ltmp7, $4  }
0x1cd: {  	s0 =	sshrl.u32 s0, $0x3  }
0x1ce: {  	s0 =	sadd.s32 s2, s0  }
0x1cf: {  	s31 =	sadd.s32 $0x1, s31;
	s0 =	sadd.s32 $0x14000, s0  }
0x1d0: {  	[tilespmem:s21], [sflag:$0x4] =	stream.linear.gather [hbm4b:s0+s4], $0x1400, $0x38;
	[tilespmem:$0x1F170] =	vst v63  }
.LBB2_13:
0x1d1: {  	_ =	sfence.sel $0x180000  }
0x1d2: {  	[bflag:$0x0] =	sbarrier.arrive $0xFFFF  }
0x1d3: {  	_ =	strace $0x90000047  }
0x1d4: {  	[bflag:$0x2] =	sbarrier.arrive $0xFFFF  }
0x1d5: {  	s0 =	rddreg [dreg:$0x3]  }
0x1d6: {  	s0 =	sadd.s32 @!p0 $0x100000, s0  }
0x1d7: {  	[sflag:s0] =	ssyncadd.tile.s32 @!p0 $0x1;
	_ =	shalt  }
.Lfunc_end2:
_tile_overlayer_lowered:
.L_overlay_start_2:
0x1d8: {  	(tag) =	ssettag $0x2  }
0x1d9: {  	s0 =	rddreg [dreg:$0x0];
	s2 =	stileid.u32  }
0x1da: {  	s1 =	rddreg [dreg:$0x1];
	p0 =	sne.s32 s2, $0x0  }
0x1db: {  	s3 =	rddreg [dreg:$0x2];
	[bflag:$0x3] =	sbarrier.arrive $0xFFFF;
	s2 =	simm.s32 @!p0 $0x1C05  }
0x1dc: {  	[timem:s3], [sflag:s2] =	dma.local @!p0 [hbm:s0], s1  }
0x1dd: {  	s0 =	simm.s32 @!p0 $0x5  }
0x1de: {  	_ =	swait.ge @!p0 [sflag:s0], s1  }
0x1df: {  	s1 =	ssub.s32 @!p0 $0x0, s1;
	[sflag:s0] =	ssyncset.done @!p0 $0x0  }
0x1e0: {  	[sflag:s0] =	ssyncadd.s32 @!p0 s1  }
0x1e1: {  	[bflag:$0x3] =	sbarrier.arrive $0xFFFF  }
0x1e2: {  	_ =	shalt  }

</sc_bundles>
